<compile_context>
chip_gen: v7x
topology: tpu7x:2x2x1
jax: 0.10.2.dev20260603
libtpu: 0.0.44.dev20260713+nightly
codegen_flags: <defaults>
</compile_context>

<pallas_src>
import functools

import jax
import jax.numpy as jnp
from jax import lax
from jax.experimental import pallas as pl
from jax.experimental.pallas import tpu as pltpu
from jax.experimental.pallas import tpu_sc as plsc

B = 4096
D = 1024
BINS = 64
NC = 2
NS = 16
L = 16
NW = NC * NS
ROWS_PER_W = B // NW
CH = 32
NCHUNK = ROWS_PER_W // CH
VPR = D // L
U = 8

_mesh = plsc.VectorSubcoreMesh(core_axis_name="c", subcore_axis_name="s")


@functools.partial(
    pl.kernel,
    out_type=jax.ShapeDtypeStruct((NW, L), jnp.float32),
    mesh=_mesh,
    compiler_params=pltpu.CompilerParams(needs_layout_passes=False),
    scratch_types=[
        pltpu.VMEM((CH, D), jnp.float32),
        pltpu.VMEM((CH, D), jnp.float32),
        pltpu.VMEM((BINS,), jnp.int32),
        pltpu.VMEM((L,), jnp.float32),
        pltpu.SemaphoreType.DMA,
        pltpu.SemaphoreType.DMA,
    ],
)
def _chi2_kernel(emb_hbm, out_hbm, buf0, buf1, hist, accv, sem0, sem1):
    cid = lax.axis_index("c")
    sid = lax.axis_index("s")
    wid = sid * NC + cid
    base = wid * ROWS_PER_W
    bufs = (buf0, buf1)
    sems = (sem0, sem1)

    handles = [None, None]
    handles[0] = pltpu.async_copy(emb_hbm.at[pl.ds(base, CH)], buf0, sem0)

    zeros = jnp.zeros((L,), jnp.float32)
    izeros = jnp.zeros((L,), jnp.int32)
    iones = jnp.ones((L,), jnp.int32)
    ones = jnp.ones((L,), jnp.float32)
    expected = jnp.full((L,), B / BINS, jnp.float32)
    acc = zeros

    for hb in range(BINS // L):
        hist[pl.ds(hb * L, L)] = izeros

    for c in range(NCHUNK):
        buf = bufs[c % 2]
        if c + 1 < NCHUNK:
            handles[(c + 1) % 2] = pltpu.async_copy(
                emb_hbm.at[pl.ds(base + (c + 1) * CH, CH)],
                bufs[(c + 1) % 2], sems[(c + 1) % 2])
        handles[c % 2].wait()

        def row_body(r, acc):
            carry0 = (tuple(jnp.full((L,), jnp.inf, jnp.float32)
                            for _ in range(U)),
                      tuple(jnp.full((L,), -jnp.inf, jnp.float32)
                            for _ in range(U)))

            @plsc.parallel_loop(0, VPR // U, carry=carry0)
            def mnmx(ii, carry):
                mns, mxs = carry
                i0 = ii * U
                new_mns = []
                new_mxs = []
                for u in range(U):
                    v = buf[r, pl.ds((i0 + u) * L, L)]
                    new_mns.append(jnp.minimum(mns[u], v))
                    new_mxs.append(jnp.maximum(mxs[u], v))
                return tuple(new_mns), tuple(new_mxs)

            mns, mxs = mnmx
            mn_v, mx_v = mns[0], mxs[0]
            for u in range(1, U):
                mn_v = jnp.minimum(mn_v, mns[u])
                mx_v = jnp.maximum(mx_v, mxs[u])
            mn = jnp.min(mn_v)
            mx = jnp.max(mx_v)
            delta = (mx - mn) * (1.0 / BINS)
            delta_v = jnp.broadcast_to(delta, (L,))
            inv = jnp.where(delta_v > 0, ones / delta_v, zeros)

            @plsc.parallel_loop(0, VPR, unroll=U)
            def binb(i):
                v = buf[r, pl.ds(i * L, L)]
                t = (v - mn) * inv
                bidx = jnp.minimum(t.astype(jnp.int32), BINS - 1)
                plsc.addupdate_scatter(hist, [bidx], iones)

            for hb in range(BINS // L):
                h = hist[pl.ds(hb * L, L)]
                hist[pl.ds(hb * L, L)] = izeros
                dv = h.astype(jnp.float32) - expected
                acc = acc + dv * dv
            return acc

        acc = lax.fori_loop(0, CH, row_body, acc)

    accv[...] = acc
    pltpu.sync_copy(accv, out_hbm.at[wid])


def kernel(embeddings):
    partials = _chi2_kernel(embeddings)
    return jnp.sum(partials) * (1.0 / ((B / BINS + 1e-8) * B))

# --- scband reference (transcript-rebuilt; emitter-appended) ---
"""Pipeline reference for scband-chi-square-loss-69166153335036 (READ-ONLY COPY).

The authoritative reference and input builder live on the scoring server;
editing this copy changes nothing except your own understanding.
"""

import jax, jax.numpy as jnp
import numpy as np

BINS = 64
EPS = 1e-08


def setup_inputs(seed: int = 0) -> dict:
    key = jax.random.key(seed)
    embeddings = jax.random.normal(key, (4096, 1024), dtype=jnp.float32)
    return {"embeddings": embeddings}


def reference(embeddings):
    # HistogramDiscretizer: per-row min/max -> per-row bin edges -> bucketize
    batch_size = embeddings.shape[0]
    min_vals = jnp.min(embeddings, axis=-1)  # [B]
    max_vals = jnp.max(embeddings, axis=-1)  # [B]
    # torch.linspace(min, max, steps=bins+1) with per-row min/max -> [B, bins+1]
    edges = jnp.linspace(min_vals, max_vals, BINS + 1, axis=-1)  # [B, bins+1]
    boundaries = edges[:, 1:-1]  # bins[1:-1], [B, bins-1]
    # torch.bucketize(embeddings, boundaries) with right=False == searchsorted side='left'
    digitized = jax.vmap(lambda b, e: jnp.searchsorted(b, e, side='left'))(
        boundaries, embeddings
    )  # int32 [B, D], values in [0, BINS-1]
    # observed[i, unique] = counts  (per-row histogram over BINS bins)
    observed = jnp.sum(jax.nn.one_hot(digitized, BINS, dtype=jnp.float32), axis=1)  # [B, BINS]
    # target_distribution == 'uniform'
    expected = jnp.full_like(observed, batch_size / BINS)
    chi2 = jnp.sum((observed - expected) ** 2 / (expected + EPS), axis=-1)  # [B]
    return jnp.mean(chi2)

if __name__ == "__main__":
    import jax
    _d = setup_inputs()
    print(jax.jit(kernel)(*tuple(_d.values())))

</pallas_src>

<mosaic_0001>
#map = affine_map<(d0, d1) -> (0, 0)>
module attributes {stable_mosaic.version = 14 : i64} {
  func.func @_chi2_kernel(%arg0: i32, %arg1: i32, %arg2: memref<4096x1024xf32, #tpu.memory_space<hbm>>, %arg3: memref<32x16xf32, #tpu.memory_space<hbm>>, %arg4: memref<32x1024xf32, #tpu.memory_space<vmem>>, %arg5: memref<32x1024xf32, #tpu.memory_space<vmem>>, %arg6: memref<64xi32, #tpu.memory_space<vmem>>, %arg7: memref<16xf32, #tpu.memory_space<vmem>>, %arg8: memref<!tpu.dma_semaphore, #tpu.memory_space<semaphore_mem>>, %arg9: memref<!tpu.dma_semaphore, #tpu.memory_space<semaphore_mem>>) attributes {dimension_semantics = [#tpu.dimension_semantics<core_parallel>, #tpu.dimension_semantics<subcore_parallel>], iteration_bounds = array<i64: 2, 16>, scalar_prefetch = 0 : i64, scratch_operands = 6 : i64, tpu.core_type = #tpu.core_type<sc_vector_subcore>, window_params = [{transform_indices = #map}, {transform_indices = #map}]} {
    %mul3A = arith.constant 2 : i32
    %mul3A_0 = arith.muli %arg1, %mul3A : i32
    %add3A = arith.addi %mul3A_0, %arg0 : i32
    %mul3A_1 = arith.constant 128 : i32
    %mul3A_2 = arith.muli %add3A, %mul3A_1 : i32
    %dma_start3A = arith.constant 0 : i32
    %dma_start3A_3 = tpu.memref_slice %arg2[%mul3A_2, %dma_start3A] : memref<4096x1024xf32, #tpu.memory_space<hbm>> -> memref<32x1024xf32, #tpu.memory_space<hbm>>
    %dma_start3A_4 = arith.constant 0 : i32
    %dma_start3A_5 = tpu.memref_slice %arg2[%mul3A_2, %dma_start3A_4] : memref<4096x1024xf32, #tpu.memory_space<hbm>> -> memref<32x1024xf32, #tpu.memory_space<hbm>>
    tpu.enqueue_dma source(%dma_start3A_5 : memref<32x1024xf32, #tpu.memory_space<hbm>>) target(%arg4 : memref<32x1024xf32, #tpu.memory_space<vmem>>) target_semaphore(%arg8 : memref<!tpu.dma_semaphore, #tpu.memory_space<semaphore_mem>>)
    %broadcast_in_dim3A = arith.constant 0.000000e+00 : f32
    %broadcast_in_dim3A_6 = vector.broadcast %broadcast_in_dim3A : f32 to vector<16xf32>
    %broadcast_in_dim3A_7 = arith.constant 0 : i32
    %broadcast_in_dim3A_8 = vector.broadcast %broadcast_in_dim3A_7 : i32 to vector<16xi32>
    %broadcast_in_dim3A_9 = arith.constant 1 : i32
    %broadcast_in_dim3A_10 = vector.broadcast %broadcast_in_dim3A_9 : i32 to vector<16xi32>
    %broadcast_in_dim3A_11 = arith.constant 1.000000e+00 : f32
    %broadcast_in_dim3A_12 = vector.broadcast %broadcast_in_dim3A_11 : f32 to vector<16xf32>
    %broadcast_in_dim3A_13 = arith.constant 6.400000e+01 : f32
    %broadcast_in_dim3A_14 = vector.broadcast %broadcast_in_dim3A_13 : f32 to vector<16xf32>
    %swap3A = arith.constant 0 : index
    %swap3A_15 = tpu.vector_load %arg6[%swap3A] {strides = array<i32>} : memref<64xi32, #tpu.memory_space<vmem>>, vector<16xi32>,
    tpu.vector_store %arg6[%swap3A], %broadcast_in_dim3A_8 {strides = array<i32>} : memref<64xi32, #tpu.memory_space<vmem>>, vector<16xi32>,
    %swap3A_16 = arith.constant 16 : index
    %swap3A_17 = tpu.vector_load %arg6[%swap3A_16] {strides = array<i32>} : memref<64xi32, #tpu.memory_space<vmem>>, vector<16xi32>,
    tpu.vector_store %arg6[%swap3A_16], %broadcast_in_dim3A_8 {strides = array<i32>} : memref<64xi32, #tpu.memory_space<vmem>>, vector<16xi32>,
    %swap3A_18 = arith.constant 32 : index
    %swap3A_19 = tpu.vector_load %arg6[%swap3A_18] {strides = array<i32>} : memref<64xi32, #tpu.memory_space<vmem>>, vector<16xi32>,
    tpu.vector_store %arg6[%swap3A_18], %broadcast_in_dim3A_8 {strides = array<i32>} : memref<64xi32, #tpu.memory_space<vmem>>, vector<16xi32>,
    %swap3A_20 = arith.constant 48 : index
    %swap3A_21 = tpu.vector_load %arg6[%swap3A_20] {strides = array<i32>} : memref<64xi32, #tpu.memory_space<vmem>>, vector<16xi32>,
    tpu.vector_store %arg6[%swap3A_20], %broadcast_in_dim3A_8 {strides = array<i32>} : memref<64xi32, #tpu.memory_space<vmem>>, vector<16xi32>,
    %add3A_22 = arith.constant 32 : i32
    %add3A_23 = arith.addi %mul3A_2, %add3A_22 : i32
    %dma_start3A_24 = arith.constant 0 : i32
    %dma_start3A_25 = tpu.memref_slice %arg2[%add3A_23, %dma_start3A_24] : memref<4096x1024xf32, #tpu.memory_space<hbm>> -> memref<32x1024xf32, #tpu.memory_space<hbm>>
    %dma_start3A_26 = arith.constant 0 : i32
    %dma_start3A_27 = tpu.memref_slice %arg2[%add3A_23, %dma_start3A_26] : memref<4096x1024xf32, #tpu.memory_space<hbm>> -> memref<32x1024xf32, #tpu.memory_space<hbm>>
    tpu.enqueue_dma source(%dma_start3A_27 : memref<32x1024xf32, #tpu.memory_space<hbm>>) target(%arg5 : memref<32x1024xf32, #tpu.memory_space<vmem>>) target_semaphore(%arg9 : memref<!tpu.dma_semaphore, #tpu.memory_space<semaphore_mem>>)
    %dma_wait3A = arith.constant 0 : i32
    %dma_wait3A_28 = tpu.memref_slice %arg2[%mul3A_2, %dma_wait3A] : memref<4096x1024xf32, #tpu.memory_space<hbm>> -> memref<32x1024xf32, #tpu.memory_space<hbm>>
    %dma_wait3A_29 = arith.constant 0 : i32
    %dma_wait3A_30 = tpu.memref_slice %arg2[%mul3A_2, %dma_wait3A_29] : memref<4096x1024xf32, #tpu.memory_space<hbm>> -> memref<32x1024xf32, #tpu.memory_space<hbm>>
    tpu.wait_dma2 semaphore(%arg8 : memref<!tpu.dma_semaphore, #tpu.memory_space<semaphore_mem>>) src(%dma_wait3A_30 : memref<32x1024xf32, #tpu.memory_space<hbm>>) dst(%arg4 : memref<32x1024xf32, #tpu.memory_space<vmem>>)
    %scan3A = arith.constant 0 : i32
    %scan3A_31 = arith.constant 32 : i32
    %scan3A_32 = arith.addi %scan3A, %scan3A_31 : i32
    %scan3A_33 = arith.constant 1 : i32
    %scan3A_34 = scf.for %scan3A_80 = %scan3A to %scan3A_32 step %scan3A_33 iter_args(%scan3A_81 = %broadcast_in_dim3A_6) -> (vector<16xf32>)  : i32 {
      %broadcast_in_dim3A_82 = arith.constant 0x7F800000 : f32
      %broadcast_in_dim3A_83 = vector.broadcast %broadcast_in_dim3A_82 : f32 to vector<16xf32>
      %broadcast_in_dim3A_84 = arith.constant 0x7F800000 : f32
      %broadcast_in_dim3A_85 = vector.broadcast %broadcast_in_dim3A_84 : f32 to vector<16xf32>
      %broadcast_in_dim3A_86 = arith.constant 0x7F800000 : f32
      %broadcast_in_dim3A_87 = vector.broadcast %broadcast_in_dim3A_86 : f32 to vector<16xf32>
      %broadcast_in_dim3A_88 = arith.constant 0x7F800000 : f32
      %broadcast_in_dim3A_89 = vector.broadcast %broadcast_in_dim3A_88 : f32 to vector<16xf32>
      %broadcast_in_dim3A_90 = arith.constant 0x7F800000 : f32
      %broadcast_in_dim3A_91 = vector.broadcast %broadcast_in_dim3A_90 : f32 to vector<16xf32>
      %broadcast_in_dim3A_92 = arith.constant 0x7F800000 : f32
      %broadcast_in_dim3A_93 = vector.broadcast %broadcast_in_dim3A_92 : f32 to vector<16xf32>
      %broadcast_in_dim3A_94 = arith.constant 0x7F800000 : f32
      %broadcast_in_dim3A_95 = vector.broadcast %broadcast_in_dim3A_94 : f32 to vector<16xf32>
      %broadcast_in_dim3A_96 = arith.constant 0x7F800000 : f32
      %broadcast_in_dim3A_97 = vector.broadcast %broadcast_in_dim3A_96 : f32 to vector<16xf32>
      %broadcast_in_dim3A_98 = arith.constant 0xFF800000 : f32
      %broadcast_in_dim3A_99 = vector.broadcast %broadcast_in_dim3A_98 : f32 to vector<16xf32>
      %broadcast_in_dim3A_100 = arith.constant 0xFF800000 : f32
      %broadcast_in_dim3A_101 = vector.broadcast %broadcast_in_dim3A_100 : f32 to vector<16xf32>
      %broadcast_in_dim3A_102 = arith.constant 0xFF800000 : f32
      %broadcast_in_dim3A_103 = vector.broadcast %broadcast_in_dim3A_102 : f32 to vector<16xf32>
      %broadcast_in_dim3A_104 = arith.constant 0xFF800000 : f32
      %broadcast_in_dim3A_105 = vector.broadcast %broadcast_in_dim3A_104 : f32 to vector<16xf32>
      %broadcast_in_dim3A_106 = arith.constant 0xFF800000 : f32
      %broadcast_in_dim3A_107 = vector.broadcast %broadcast_in_dim3A_106 : f32 to vector<16xf32>
      %broadcast_in_dim3A_108 = arith.constant 0xFF800000 : f32
      %broadcast_in_dim3A_109 = vector.broadcast %broadcast_in_dim3A_108 : f32 to vector<16xf32>
      %broadcast_in_dim3A_110 = arith.constant 0xFF800000 : f32
      %broadcast_in_dim3A_111 = vector.broadcast %broadcast_in_dim3A_110 : f32 to vector<16xf32>
      %broadcast_in_dim3A_112 = arith.constant 0xFF800000 : f32
      %broadcast_in_dim3A_113 = vector.broadcast %broadcast_in_dim3A_112 : f32 to vector<16xf32>
      %parallel_loop3A = arith.constant 0 : i32
      %parallel_loop3A_114 = arith.constant 8 : i32
      %parallel_loop3A_115 = arith.constant 1 : i32
      %parallel_loop3A_116:16 = scf.for %parallel_loop3A_173 = %parallel_loop3A to %parallel_loop3A_114 step %parallel_loop3A_115 iter_args(%parallel_loop3A_174 = %broadcast_in_dim3A_83, %parallel_loop3A_175 = %broadcast_in_dim3A_85, %parallel_loop3A_176 = %broadcast_in_dim3A_87, %parallel_loop3A_177 = %broadcast_in_dim3A_89, %parallel_loop3A_178 = %broadcast_in_dim3A_91, %parallel_loop3A_179 = %broadcast_in_dim3A_93, %parallel_loop3A_180 = %broadcast_in_dim3A_95, %parallel_loop3A_181 = %broadcast_in_dim3A_97, %parallel_loop3A_182 = %broadcast_in_dim3A_99, %parallel_loop3A_183 = %broadcast_in_dim3A_101, %parallel_loop3A_184 = %broadcast_in_dim3A_103, %parallel_loop3A_185 = %broadcast_in_dim3A_105, %parallel_loop3A_186 = %broadcast_in_dim3A_107, %parallel_loop3A_187 = %broadcast_in_dim3A_109, %parallel_loop3A_188 = %broadcast_in_dim3A_111, %parallel_loop3A_189 = %broadcast_in_dim3A_113) -> (vector<16xf32>, vector<16xf32>, vector<16xf32>, vector<16xf32>, vector<16xf32>, vector<16xf32>, vector<16xf32>, vector<16xf32>, vector<16xf32>, vector<16xf32>, vector<16xf32>, vector<16xf32>, vector<16xf32>, vector<16xf32>, vector<16xf32>, vector<16xf32>)  : i32 {
        %parallel_loop3A_190 = arith.constant 8 : i32
        %parallel_loop3A_191 = arith.muli %parallel_loop3A_173, %parallel_loop3A_190 : i32
        %parallel_loop3A_192 = arith.constant 0 : i32
        %parallel_loop3A_193 = arith.addi %parallel_loop3A_191, %parallel_loop3A_192 : i32
        %parallel_loop3A_194 = arith.constant 16 : i32
        %parallel_loop3A_195 = arith.muli %parallel_loop3A_193, %parallel_loop3A_194 : i32
        %parallel_loop3A_196 = arith.index_cast %scan3A_80 : i32 to index
        %parallel_loop3A_197 = arith.index_cast %parallel_loop3A_195 : i32 to index
        %parallel_loop3A_198 = tpu.vector_load %arg4[%parallel_loop3A_196, %parallel_loop3A_197] {strides = array<i32>} : memref<32x1024xf32, #tpu.memory_space<vmem>>, vector<16xf32>,
        %parallel_loop3A_199 = arith.minimumf %parallel_loop3A_174, %parallel_loop3A_198 : vector<16xf32>
        %parallel_loop3A_200 = arith.maximumf %parallel_loop3A_182, %parallel_loop3A_198 : vector<16xf32>
        %parallel_loop3A_201 = arith.constant 1 : i32
        %parallel_loop3A_202 = arith.addi %parallel_loop3A_191, %parallel_loop3A_201 : i32
        %parallel_loop3A_203 = arith.constant 16 : i32
        %parallel_loop3A_204 = arith.muli %parallel_loop3A_202, %parallel_loop3A_203 : i32
        %parallel_loop3A_205 = arith.index_cast %scan3A_80 : i32 to index
        %parallel_loop3A_206 = arith.index_cast %parallel_loop3A_204 : i32 to index
        %parallel_loop3A_207 = tpu.vector_load %arg4[%parallel_loop3A_205, %parallel_loop3A_206] {strides = array<i32>} : memref<32x1024xf32, #tpu.memory_space<vmem>>, vector<16xf32>,
        %parallel_loop3A_208 = arith.minimumf %parallel_loop3A_175, %parallel_loop3A_207 : vector<16xf32>
        %parallel_loop3A_209 = arith.maximumf %parallel_loop3A_183, %parallel_loop3A_207 : vector<16xf32>
        %parallel_loop3A_210 = arith.constant 2 : i32
        %parallel_loop3A_211 = arith.addi %parallel_loop3A_191, %parallel_loop3A_210 : i32
        %parallel_loop3A_212 = arith.constant 16 : i32
        %parallel_loop3A_213 = arith.muli %parallel_loop3A_211, %parallel_loop3A_212 : i32
        %parallel_loop3A_214 = arith.index_cast %scan3A_80 : i32 to index
        %parallel_loop3A_215 = arith.index_cast %parallel_loop3A_213 : i32 to index
        %parallel_loop3A_216 = tpu.vector_load %arg4[%parallel_loop3A_214, %parallel_loop3A_215] {strides = array<i32>} : memref<32x1024xf32, #tpu.memory_space<vmem>>, vector<16xf32>,
        %parallel_loop3A_217 = arith.minimumf %parallel_loop3A_176, %parallel_loop3A_216 : vector<16xf32>
        %parallel_loop3A_218 = arith.maximumf %parallel_loop3A_184, %parallel_loop3A_216 : vector<16xf32>
        %parallel_loop3A_219 = arith.constant 3 : i32
        %parallel_loop3A_220 = arith.addi %parallel_loop3A_191, %parallel_loop3A_219 : i32
        %parallel_loop3A_221 = arith.constant 16 : i32
        %parallel_loop3A_222 = arith.muli %parallel_loop3A_220, %parallel_loop3A_221 : i32
        %parallel_loop3A_223 = arith.index_cast %scan3A_80 : i32 to index
        %parallel_loop3A_224 = arith.index_cast %parallel_loop3A_222 : i32 to index
        %parallel_loop3A_225 = tpu.vector_load %arg4[%parallel_loop3A_223, %parallel_loop3A_224] {strides = array<i32>} : memref<32x1024xf32, #tpu.memory_space<vmem>>, vector<16xf32>,
        %parallel_loop3A_226 = arith.minimumf %parallel_loop3A_177, %parallel_loop3A_225 : vector<16xf32>
        %parallel_loop3A_227 = arith.maximumf %parallel_loop3A_185, %parallel_loop3A_225 : vector<16xf32>
        %parallel_loop3A_228 = arith.constant 4 : i32
        %parallel_loop3A_229 = arith.addi %parallel_loop3A_191, %parallel_loop3A_228 : i32
        %parallel_loop3A_230 = arith.constant 16 : i32
        %parallel_loop3A_231 = arith.muli %parallel_loop3A_229, %parallel_loop3A_230 : i32
        %parallel_loop3A_232 = arith.index_cast %scan3A_80 : i32 to index
        %parallel_loop3A_233 = arith.index_cast %parallel_loop3A_231 : i32 to index
        %parallel_loop3A_234 = tpu.vector_load %arg4[%parallel_loop3A_232, %parallel_loop3A_233] {strides = array<i32>} : memref<32x1024xf32, #tpu.memory_space<vmem>>, vector<16xf32>,
        %parallel_loop3A_235 = arith.minimumf %parallel_loop3A_178, %parallel_loop3A_234 : vector<16xf32>
        %parallel_loop3A_236 = arith.maximumf %parallel_loop3A_186, %parallel_loop3A_234 : vector<16xf32>
        %parallel_loop3A_237 = arith.constant 5 : i32
        %parallel_loop3A_238 = arith.addi %parallel_loop3A_191, %parallel_loop3A_237 : i32
        %parallel_loop3A_239 = arith.constant 16 : i32
        %parallel_loop3A_240 = arith.muli %parallel_loop3A_238, %parallel_loop3A_239 : i32
        %parallel_loop3A_241 = arith.index_cast %scan3A_80 : i32 to index
        %parallel_loop3A_242 = arith.index_cast %parallel_loop3A_240 : i32 to index
        %parallel_loop3A_243 = tpu.vector_load %arg4[%parallel_loop3A_241, %parallel_loop3A_242] {strides = array<i32>} : memref<32x1024xf32, #tpu.memory_space<vmem>>, vector<16xf32>,
        %parallel_loop3A_244 = arith.minimumf %parallel_loop3A_179, %parallel_loop3A_243 : vector<16xf32>
        %parallel_loop3A_245 = arith.maximumf %parallel_loop3A_187, %parallel_loop3A_243 : vector<16xf32>
        %parallel_loop3A_246 = arith.constant 6 : i32
        %parallel_loop3A_247 = arith.addi %parallel_loop3A_191, %parallel_loop3A_246 : i32
        %parallel_loop3A_248 = arith.constant 16 : i32
        %parallel_loop3A_249 = arith.muli %parallel_loop3A_247, %parallel_loop3A_248 : i32
        %parallel_loop3A_250 = arith.index_cast %scan3A_80 : i32 to index
        %parallel_loop3A_251 = arith.index_cast %parallel_loop3A_249 : i32 to index
        %parallel_loop3A_252 = tpu.vector_load %arg4[%parallel_loop3A_250, %parallel_loop3A_251] {strides = array<i32>} : memref<32x1024xf32, #tpu.memory_space<vmem>>, vector<16xf32>,
        %parallel_loop3A_253 = arith.minimumf %parallel_loop3A_180, %parallel_loop3A_252 : vector<16xf32>
        %parallel_loop3A_254 = arith.maximumf %parallel_loop3A_188, %parallel_loop3A_252 : vector<16xf32>
        %parallel_loop3A_255 = arith.constant 7 : i32
        %parallel_loop3A_256 = arith.addi %parallel_loop3A_191, %parallel_loop3A_255 : i32
        %parallel_loop3A_257 = arith.constant 16 : i32
        %parallel_loop3A_258 = arith.muli %parallel_loop3A_256, %parallel_loop3A_257 : i32
        %parallel_loop3A_259 = arith.index_cast %scan3A_80 : i32 to index
        %parallel_loop3A_260 = arith.index_cast %parallel_loop3A_258 : i32 to index
        %parallel_loop3A_261 = tpu.vector_load %arg4[%parallel_loop3A_259, %parallel_loop3A_260] {strides = array<i32>} : memref<32x1024xf32, #tpu.memory_space<vmem>>, vector<16xf32>,
        %parallel_loop3A_262 = arith.minimumf %parallel_loop3A_181, %parallel_loop3A_261 : vector<16xf32>
        %parallel_loop3A_263 = arith.maximumf %parallel_loop3A_189, %parallel_loop3A_261 : vector<16xf32>
        scf.yield %parallel_loop3A_199, %parallel_loop3A_208, %parallel_loop3A_217, %parallel_loop3A_226, %parallel_loop3A_235, %parallel_loop3A_244, %parallel_loop3A_253, %parallel_loop3A_262, %parallel_loop3A_200, %parallel_loop3A_209, %parallel_loop3A_218, %parallel_loop3A_227, %parallel_loop3A_236, %parallel_loop3A_245, %parallel_loop3A_254, %parallel_loop3A_263 : vector<16xf32>, vector<16xf32>, vector<16xf32>, vector<16xf32>, vector<16xf32>, vector<16xf32>, vector<16xf32>, vector<16xf32>, vector<16xf32>, vector<16xf32>, vector<16xf32>, vector<16xf32>, vector<16xf32>, vector<16xf32>, vector<16xf32>, vector<16xf32>
      } {sc.loop_unroll_factor = 1 : i64, sc.parallel_access}
      %min3A = arith.minimumf %parallel_loop3A_116#0, %parallel_loop3A_116#1 : vector<16xf32>
      %max3A = arith.maximumf %parallel_loop3A_116#8, %parallel_loop3A_116#9 : vector<16xf32>
      %min3A_117 = arith.minimumf %min3A, %parallel_loop3A_116#2 : vector<16xf32>
      %max3A_118 = arith.maximumf %max3A, %parallel_loop3A_116#10 : vector<16xf32>
      %min3A_119 = arith.minimumf %min3A_117, %parallel_loop3A_116#3 : vector<16xf32>
      %max3A_120 = arith.maximumf %max3A_118, %parallel_loop3A_116#11 : vector<16xf32>
      %min3A_121 = arith.minimumf %min3A_119, %parallel_loop3A_116#4 : vector<16xf32>
      %max3A_122 = arith.maximumf %max3A_120, %parallel_loop3A_116#12 : vector<16xf32>
      %min3A_123 = arith.minimumf %min3A_121, %parallel_loop3A_116#5 : vector<16xf32>
      %max3A_124 = arith.maximumf %max3A_122, %parallel_loop3A_116#13 : vector<16xf32>
      %min3A_125 = arith.minimumf %min3A_123, %parallel_loop3A_116#6 : vector<16xf32>
      %max3A_126 = arith.maximumf %max3A_124, %parallel_loop3A_116#14 : vector<16xf32>
      %min3A_127 = arith.minimumf %min3A_125, %parallel_loop3A_116#7 : vector<16xf32>
      %max3A_128 = arith.maximumf %max3A_126, %parallel_loop3A_116#15 : vector<16xf32>
      %reduce_min3A = arith.constant true
      %reduce_min3A_129 = vector.broadcast %reduce_min3A : i1 to vector<16xi1>
      %reduce_min3A_130 = tpu.scan <min>, %min3A_127 masked %reduce_min3A_129 : vector<16xf32>, vector<16xi1> -> vector<16xf32>
      %reduce_min3A_131 = vector.extract %reduce_min3A_130[15] : f32 from vector<16xf32>
      %reduce_max3A = arith.constant true
      %reduce_max3A_132 = vector.broadcast %reduce_max3A : i1 to vector<16xi1>
      %reduce_max3A_133 = tpu.scan <max>, %max3A_128 masked %reduce_max3A_132 : vector<16xf32>, vector<16xi1> -> vector<16xf32>
      %reduce_max3A_134 = vector.extract %reduce_max3A_133[15] : f32 from vector<16xf32>
      %sub3A = arith.subf %reduce_max3A_134, %reduce_min3A_131 : f32
      %mul3A_135 = arith.constant 1.562500e-02 : f32
      %mul3A_136 = arith.mulf %sub3A, %mul3A_135 : f32
      %broadcast_in_dim3A_137 = vector.broadcast %mul3A_136 : f32 to vector<16xf32>
      %gt3A = arith.constant 0.000000e+00 : f32
      %gt3A_138 = vector.broadcast %gt3A : f32 to vector<16xf32>
      %gt3A_139 = arith.cmpf ogt, %broadcast_in_dim3A_137, %gt3A_138 : vector<16xf32>
      %div3A = arith.divf %broadcast_in_dim3A_12, %broadcast_in_dim3A_137 : vector<16xf32>
      %select_n3A = arith.select %gt3A_139, %div3A, %broadcast_in_dim3A_6 : vector<16xi1>, vector<16xf32>
      %parallel_loop3A_140 = arith.constant 0 : i32
      %parallel_loop3A_141 = arith.constant 64 : i32
      %parallel_loop3A_142 = arith.constant 1 : i32
      scf.for %parallel_loop3A_173 = %parallel_loop3A_140 to %parallel_loop3A_141 step %parallel_loop3A_142  : i32 {
        %parallel_loop3A_174 = arith.constant 16 : i32
        %parallel_loop3A_175 = arith.muli %parallel_loop3A_173, %parallel_loop3A_174 : i32
        %parallel_loop3A_176 = arith.index_cast %scan3A_80 : i32 to index
        %parallel_loop3A_177 = arith.index_cast %parallel_loop3A_175 : i32 to index
        %parallel_loop3A_178 = tpu.vector_load %arg4[%parallel_loop3A_176, %parallel_loop3A_177] {strides = array<i32>} : memref<32x1024xf32, #tpu.memory_space<vmem>>, vector<16xf32>,
        %parallel_loop3A_179 = vector.broadcast %reduce_min3A_131 : f32 to vector<16xf32>
        %parallel_loop3A_180 = arith.subf %parallel_loop3A_178, %parallel_loop3A_179 : vector<16xf32>
        %parallel_loop3A_181 = arith.mulf %parallel_loop3A_180, %select_n3A : vector<16xf32>
        %parallel_loop3A_182 = arith.fptosi %parallel_loop3A_181 : vector<16xf32> to vector<16xi32>
        %parallel_loop3A_183 = arith.constant 63 : i32
        %parallel_loop3A_184 = vector.broadcast %parallel_loop3A_183 : i32 to vector<16xi32>
        %parallel_loop3A_185 = arith.minsi %parallel_loop3A_182, %parallel_loop3A_184 : vector<16xi32>
        tpu.vector_store_idx %arg6[%parallel_loop3A_185], %broadcast_in_dim3A_10 {add = true} : memref<64xi32, #tpu.memory_space<vmem>>[vector<16xi32>], vector<16xi32>,
      } {sc.loop_unroll_factor = 8 : i64, sc.parallel_access}
      %get3A = arith.constant 0 : index
      %get3A_143 = tpu.vector_load %arg6[%get3A] {strides = array<i32>} : memref<64xi32, #tpu.memory_space<vmem>>, vector<16xi32>,
      %swap3A_144 = arith.constant 0 : index
      %swap3A_145 = tpu.vector_load %arg6[%swap3A_144] {strides = array<i32>} : memref<64xi32, #tpu.memory_space<vmem>>, vector<16xi32>,
      tpu.vector_store %arg6[%swap3A_144], %broadcast_in_dim3A_8 {strides = array<i32>} : memref<64xi32, #tpu.memory_space<vmem>>, vector<16xi32>,
      %convert_element_type3A = arith.sitofp %get3A_143 : vector<16xi32> to vector<16xf32>
      %sub3A_146 = arith.subf %convert_element_type3A, %broadcast_in_dim3A_14 : vector<16xf32>
      %mul3A_147 = arith.mulf %sub3A_146, %sub3A_146 : vector<16xf32>
      %add3A_148 = arith.addf %scan3A_81, %mul3A_147 : vector<16xf32>
      %get3A_149 = arith.constant 16 : index
      %get3A_150 = tpu.vector_load %arg6[%get3A_149] {strides = array<i32>} : memref<64xi32, #tpu.memory_space<vmem>>, vector<16xi32>,
      %swap3A_151 = arith.constant 16 : index
      %swap3A_152 = tpu.vector_load %arg6[%swap3A_151] {strides = array<i32>} : memref<64xi32, #tpu.memory_space<vmem>>, vector<16xi32>,
      tpu.vector_store %arg6[%swap3A_151], %broadcast_in_dim3A_8 {strides = array<i32>} : memref<64xi32, #tpu.memory_space<vmem>>, vector<16xi32>,
      %convert_element_type3A_153 = arith.sitofp %get3A_150 : vector<16xi32> to vector<16xf32>
      %sub3A_154 = arith.subf %convert_element_type3A_153, %broadcast_in_dim3A_14 : vector<16xf32>
      %mul3A_155 = arith.mulf %sub3A_154, %sub3A_154 : vector<16xf32>
      %add3A_156 = arith.addf %add3A_148, %mul3A_155 : vector<16xf32>
      %get3A_157 = arith.constant 32 : index
      %get3A_158 = tpu.vector_load %arg6[%get3A_157] {strides = array<i32>} : memref<64xi32, #tpu.memory_space<vmem>>, vector<16xi32>,
      %swap3A_159 = arith.constant 32 : index
      %swap3A_160 = tpu.vector_load %arg6[%swap3A_159] {strides = array<i32>} : memref<64xi32, #tpu.memory_space<vmem>>, vector<16xi32>,
      tpu.vector_store %arg6[%swap3A_159], %broadcast_in_dim3A_8 {strides = array<i32>} : memref<64xi32, #tpu.memory_space<vmem>>, vector<16xi32>,
      %convert_element_type3A_161 = arith.sitofp %get3A_158 : vector<16xi32> to vector<16xf32>
      %sub3A_162 = arith.subf %convert_element_type3A_161, %broadcast_in_dim3A_14 : vector<16xf32>
      %mul3A_163 = arith.mulf %sub3A_162, %sub3A_162 : vector<16xf32>
      %add3A_164 = arith.addf %add3A_156, %mul3A_163 : vector<16xf32>
      %get3A_165 = arith.constant 48 : index
      %get3A_166 = tpu.vector_load %arg6[%get3A_165] {strides = array<i32>} : memref<64xi32, #tpu.memory_space<vmem>>, vector<16xi32>,
      %swap3A_167 = arith.constant 48 : index
      %swap3A_168 = tpu.vector_load %arg6[%swap3A_167] {strides = array<i32>} : memref<64xi32, #tpu.memory_space<vmem>>, vector<16xi32>,
      tpu.vector_store %arg6[%swap3A_167], %broadcast_in_dim3A_8 {strides = array<i32>} : memref<64xi32, #tpu.memory_space<vmem>>, vector<16xi32>,
      %convert_element_type3A_169 = arith.sitofp %get3A_166 : vector<16xi32> to vector<16xf32>
      %sub3A_170 = arith.subf %convert_element_type3A_169, %broadcast_in_dim3A_14 : vector<16xf32>
      %mul3A_171 = arith.mulf %sub3A_170, %sub3A_170 : vector<16xf32>
      %add3A_172 = arith.addf %add3A_164, %mul3A_171 : vector<16xf32>
      scf.yield %add3A_172 : vector<16xf32>
    }
    %scan3A_35 = arith.constant 32 : i32
    %add3A_36 = arith.constant 64 : i32
    %add3A_37 = arith.addi %mul3A_2, %add3A_36 : i32
    %dma_start3A_38 = arith.constant 0 : i32
    %dma_start3A_39 = tpu.memref_slice %arg2[%add3A_37, %dma_start3A_38] : memref<4096x1024xf32, #tpu.memory_space<hbm>> -> memref<32x1024xf32, #tpu.memory_space<hbm>>
    %dma_start3A_40 = arith.constant 0 : i32
    %dma_start3A_41 = tpu.memref_slice %arg2[%add3A_37, %dma_start3A_40] : memref<4096x1024xf32, #tpu.memory_space<hbm>> -> memref<32x1024xf32, #tpu.memory_space<hbm>>
    tpu.enqueue_dma source(%dma_start3A_41 : memref<32x1024xf32, #tpu.memory_space<hbm>>) target(%arg4 : memref<32x1024xf32, #tpu.memory_space<vmem>>) target_semaphore(%arg8 : memref<!tpu.dma_semaphore, #tpu.memory_space<semaphore_mem>>)
    %dma_wait3A_42 = arith.constant 0 : i32
    %dma_wait3A_43 = tpu.memref_slice %arg2[%add3A_23, %dma_wait3A_42] : memref<4096x1024xf32, #tpu.memory_space<hbm>> -> memref<32x1024xf32, #tpu.memory_space<hbm>>
    %dma_wait3A_44 = arith.constant 0 : i32
    %dma_wait3A_45 = tpu.memref_slice %arg2[%add3A_23, %dma_wait3A_44] : memref<4096x1024xf32, #tpu.memory_space<hbm>> -> memref<32x1024xf32, #tpu.memory_space<hbm>>
    tpu.wait_dma2 semaphore(%arg9 : memref<!tpu.dma_semaphore, #tpu.memory_space<semaphore_mem>>) src(%dma_wait3A_45 : memref<32x1024xf32, #tpu.memory_space<hbm>>) dst(%arg5 : memref<32x1024xf32, #tpu.memory_space<vmem>>)
    %scan3A_46 = arith.constant 0 : i32
    %scan3A_47 = arith.constant 32 : i32
    %scan3A_48 = arith.addi %scan3A_46, %scan3A_47 : i32
    %scan3A_49 = arith.constant 1 : i32
    %scan3A_50 = scf.for %scan3A_80 = %scan3A_46 to %scan3A_48 step %scan3A_49 iter_args(%scan3A_81 = %scan3A_34) -> (vector<16xf32>)  : i32 {
      %broadcast_in_dim3A_82 = arith.constant 0x7F800000 : f32
      %broadcast_in_dim3A_83 = vector.broadcast %broadcast_in_dim3A_82 : f32 to vector<16xf32>
      %broadcast_in_dim3A_84 = arith.constant 0x7F800000 : f32
      %broadcast_in_dim3A_85 = vector.broadcast %broadcast_in_dim3A_84 : f32 to vector<16xf32>
      %broadcast_in_dim3A_86 = arith.constant 0x7F800000 : f32
      %broadcast_in_dim3A_87 = vector.broadcast %broadcast_in_dim3A_86 : f32 to vector<16xf32>
      %broadcast_in_dim3A_88 = arith.constant 0x7F800000 : f32
      %broadcast_in_dim3A_89 = vector.broadcast %broadcast_in_dim3A_88 : f32 to vector<16xf32>
      %broadcast_in_dim3A_90 = arith.constant 0x7F800000 : f32
      %broadcast_in_dim3A_91 = vector.broadcast %broadcast_in_dim3A_90 : f32 to vector<16xf32>
      %broadcast_in_dim3A_92 = arith.constant 0x7F800000 : f32
      %broadcast_in_dim3A_93 = vector.broadcast %broadcast_in_dim3A_92 : f32 to vector<16xf32>
      %broadcast_in_dim3A_94 = arith.constant 0x7F800000 : f32
      %broadcast_in_dim3A_95 = vector.broadcast %broadcast_in_dim3A_94 : f32 to vector<16xf32>
      %broadcast_in_dim3A_96 = arith.constant 0x7F800000 : f32
      %broadcast_in_dim3A_97 = vector.broadcast %broadcast_in_dim3A_96 : f32 to vector<16xf32>
      %broadcast_in_dim3A_98 = arith.constant 0xFF800000 : f32
      %broadcast_in_dim3A_99 = vector.broadcast %broadcast_in_dim3A_98 : f32 to vector<16xf32>
      %broadcast_in_dim3A_100 = arith.constant 0xFF800000 : f32
      %broadcast_in_dim3A_101 = vector.broadcast %broadcast_in_dim3A_100 : f32 to vector<16xf32>
      %broadcast_in_dim3A_102 = arith.constant 0xFF800000 : f32
      %broadcast_in_dim3A_103 = vector.broadcast %broadcast_in_dim3A_102 : f32 to vector<16xf32>
      %broadcast_in_dim3A_104 = arith.constant 0xFF800000 : f32
      %broadcast_in_dim3A_105 = vector.broadcast %broadcast_in_dim3A_104 : f32 to vector<16xf32>
      %broadcast_in_dim3A_106 = arith.constant 0xFF800000 : f32
      %broadcast_in_dim3A_107 = vector.broadcast %broadcast_in_dim3A_106 : f32 to vector<16xf32>
      %broadcast_in_dim3A_108 = arith.constant 0xFF800000 : f32
      %broadcast_in_dim3A_109 = vector.broadcast %broadcast_in_dim3A_108 : f32 to vector<16xf32>
      %broadcast_in_dim3A_110 = arith.constant 0xFF800000 : f32
      %broadcast_in_dim3A_111 = vector.broadcast %broadcast_in_dim3A_110 : f32 to vector<16xf32>
      %broadcast_in_dim3A_112 = arith.constant 0xFF800000 : f32
      %broadcast_in_dim3A_113 = vector.broadcast %broadcast_in_dim3A_112 : f32 to vector<16xf32>
      %parallel_loop3A = arith.constant 0 : i32
      %parallel_loop3A_114 = arith.constant 8 : i32
      %parallel_loop3A_115 = arith.constant 1 : i32
      %parallel_loop3A_116:16 = scf.for %parallel_loop3A_173 = %parallel_loop3A to %parallel_loop3A_114 step %parallel_loop3A_115 iter_args(%parallel_loop3A_174 = %broadcast_in_dim3A_83, %parallel_loop3A_175 = %broadcast_in_dim3A_85, %parallel_loop3A_176 = %broadcast_in_dim3A_87, %parallel_loop3A_177 = %broadcast_in_dim3A_89, %parallel_loop3A_178 = %broadcast_in_dim3A_91, %parallel_loop3A_179 = %broadcast_in_dim3A_93, %parallel_loop3A_180 = %broadcast_in_dim3A_95, %parallel_loop3A_181 = %broadcast_in_dim3A_97, %parallel_loop3A_182 = %broadcast_in_dim3A_99, %parallel_loop3A_183 = %broadcast_in_dim3A_101, %parallel_loop3A_184 = %broadcast_in_dim3A_103, %parallel_loop3A_185 = %broadcast_in_dim3A_105, %parallel_loop3A_186 = %broadcast_in_dim3A_107, %parallel_loop3A_187 = %broadcast_in_dim3A_109, %parallel_loop3A_188 = %broadcast_in_dim3A_111, %parallel_loop3A_189 = %broadcast_in_dim3A_113) -> (vector<16xf32>, vector<16xf32>, vector<16xf32>, vector<16xf32>, vector<16xf32>, vector<16xf32>, vector<16xf32>, vector<16xf32>, vector<16xf32>, vector<16xf32>, vector<16xf32>, vector<16xf32>, vector<16xf32>, vector<16xf32>, vector<16xf32>, vector<16xf32>)  : i32 {
        %parallel_loop3A_190 = arith.constant 8 : i32
        %parallel_loop3A_191 = arith.muli %parallel_loop3A_173, %parallel_loop3A_190 : i32
        %parallel_loop3A_192 = arith.constant 0 : i32
        %parallel_loop3A_193 = arith.addi %parallel_loop3A_191, %parallel_loop3A_192 : i32
        %parallel_loop3A_194 = arith.constant 16 : i32
        %parallel_loop3A_195 = arith.muli %parallel_loop3A_193, %parallel_loop3A_194 : i32
        %parallel_loop3A_196 = arith.index_cast %scan3A_80 : i32 to index
        %parallel_loop3A_197 = arith.index_cast %parallel_loop3A_195 : i32 to index
        %parallel_loop3A_198 = tpu.vector_load %arg5[%parallel_loop3A_196, %parallel_loop3A_197] {strides = array<i32>} : memref<32x1024xf32, #tpu.memory_space<vmem>>, vector<16xf32>,
        %parallel_loop3A_199 = arith.minimumf %parallel_loop3A_174, %parallel_loop3A_198 : vector<16xf32>
        %parallel_loop3A_200 = arith.maximumf %parallel_loop3A_182, %parallel_loop3A_198 : vector<16xf32>
        %parallel_loop3A_201 = arith.constant 1 : i32
        %parallel_loop3A_202 = arith.addi %parallel_loop3A_191, %parallel_loop3A_201 : i32
        %parallel_loop3A_203 = arith.constant 16 : i32
        %parallel_loop3A_204 = arith.muli %parallel_loop3A_202, %parallel_loop3A_203 : i32
        %parallel_loop3A_205 = arith.index_cast %scan3A_80 : i32 to index
        %parallel_loop3A_206 = arith.index_cast %parallel_loop3A_204 : i32 to index
        %parallel_loop3A_207 = tpu.vector_load %arg5[%parallel_loop3A_205, %parallel_loop3A_206] {strides = array<i32>} : memref<32x1024xf32, #tpu.memory_space<vmem>>, vector<16xf32>,
        %parallel_loop3A_208 = arith.minimumf %parallel_loop3A_175, %parallel_loop3A_207 : vector<16xf32>
        %parallel_loop3A_209 = arith.maximumf %parallel_loop3A_183, %parallel_loop3A_207 : vector<16xf32>
        %parallel_loop3A_210 = arith.constant 2 : i32
        %parallel_loop3A_211 = arith.addi %parallel_loop3A_191, %parallel_loop3A_210 : i32
        %parallel_loop3A_212 = arith.constant 16 : i32
        %parallel_loop3A_213 = arith.muli %parallel_loop3A_211, %parallel_loop3A_212 : i32
        %parallel_loop3A_214 = arith.index_cast %scan3A_80 : i32 to index
        %parallel_loop3A_215 = arith.index_cast %parallel_loop3A_213 : i32 to index
        %parallel_loop3A_216 = tpu.vector_load %arg5[%parallel_loop3A_214, %parallel_loop3A_215] {strides = array<i32>} : memref<32x1024xf32, #tpu.memory_space<vmem>>, vector<16xf32>,
        %parallel_loop3A_217 = arith.minimumf %parallel_loop3A_176, %parallel_loop3A_216 : vector<16xf32>
        %parallel_loop3A_218 = arith.maximumf %parallel_loop3A_184, %parallel_loop3A_216 : vector<16xf32>
        %parallel_loop3A_219 = arith.constant 3 : i32
        %parallel_loop3A_220 = arith.addi %parallel_loop3A_191, %parallel_loop3A_219 : i32
        %parallel_loop3A_221 = arith.constant 16 : i32
        %parallel_loop3A_222 = arith.muli %parallel_loop3A_220, %parallel_loop3A_221 : i32
        %parallel_loop3A_223 = arith.index_cast %scan3A_80 : i32 to index
        %parallel_loop3A_224 = arith.index_cast %parallel_loop3A_222 : i32 to index
        %parallel_loop3A_225 = tpu.vector_load %arg5[%parallel_loop3A_223, %parallel_loop3A_224] {strides = array<i32>} : memref<32x1024xf32, #tpu.memory_space<vmem>>, vector<16xf32>,
        %parallel_loop3A_226 = arith.minimumf %parallel_loop3A_177, %parallel_loop3A_225 : vector<16xf32>
        %parallel_loop3A_227 = arith.maximumf %parallel_loop3A_185, %parallel_loop3A_225 : vector<16xf32>
        %parallel_loop3A_228 = arith.constant 4 : i32
        %parallel_loop3A_229 = arith.addi %parallel_loop3A_191, %parallel_loop3A_228 : i32
        %parallel_loop3A_230 = arith.constant 16 : i32
        %parallel_loop3A_231 = arith.muli %parallel_loop3A_229, %parallel_loop3A_230 : i32
        %parallel_loop3A_232 = arith.index_cast %scan3A_80 : i32 to index
        %parallel_loop3A_233 = arith.index_cast %parallel_loop3A_231 : i32 to index
        %parallel_loop3A_234 = tpu.vector_load %arg5[%parallel_loop3A_232, %parallel_loop3A_233] {strides = array<i32>} : memref<32x1024xf32, #tpu.memory_space<vmem>>, vector<16xf32>,
        %parallel_loop3A_235 = arith.minimumf %parallel_loop3A_178, %parallel_loop3A_234 : vector<16xf32>
        %parallel_loop3A_236 = arith.maximumf %parallel_loop3A_186, %parallel_loop3A_234 : vector<16xf32>
        %parallel_loop3A_237 = arith.constant 5 : i32
        %parallel_loop3A_238 = arith.addi %parallel_loop3A_191, %parallel_loop3A_237 : i32
        %parallel_loop3A_239 = arith.constant 16 : i32
        %parallel_loop3A_240 = arith.muli %parallel_loop3A_238, %parallel_loop3A_239 : i32
        %parallel_loop3A_241 = arith.index_cast %scan3A_80 : i32 to index
        %parallel_loop3A_242 = arith.index_cast %parallel_loop3A_240 : i32 to index
        %parallel_loop3A_243 = tpu.vector_load %arg5[%parallel_loop3A_241, %parallel_loop3A_242] {strides = array<i32>} : memref<32x1024xf32, #tpu.memory_space<vmem>>, vector<16xf32>,
        %parallel_loop3A_244 = arith.minimumf %parallel_loop3A_179, %parallel_loop3A_243 : vector<16xf32>
        %parallel_loop3A_245 = arith.maximumf %parallel_loop3A_187, %parallel_loop3A_243 : vector<16xf32>
        %parallel_loop3A_246 = arith.constant 6 : i32
        %parallel_loop3A_247 = arith.addi %parallel_loop3A_191, %parallel_loop3A_246 : i32
        %parallel_loop3A_248 = arith.constant 16 : i32
        %parallel_loop3A_249 = arith.muli %parallel_loop3A_247, %parallel_loop3A_248 : i32
        %parallel_loop3A_250 = arith.index_cast %scan3A_80 : i32 to index
        %parallel_loop3A_251 = arith.index_cast %parallel_loop3A_249 : i32 to index
        %parallel_loop3A_252 = tpu.vector_load %arg5[%parallel_loop3A_250, %parallel_loop3A_251] {strides = array<i32>} : memref<32x1024xf32, #tpu.memory_space<vmem>>, vector<16xf32>,
        %parallel_loop3A_253 = arith.minimumf %parallel_loop3A_180, %parallel_loop3A_252 : vector<16xf32>
        %parallel_loop3A_254 = arith.maximumf %parallel_loop3A_188, %parallel_loop3A_252 : vector<16xf32>
        %parallel_loop3A_255 = arith.constant 7 : i32
        %parallel_loop3A_256 = arith.addi %parallel_loop3A_191, %parallel_loop3A_255 : i32
        %parallel_loop3A_257 = arith.constant 16 : i32
        %parallel_loop3A_258 = arith.muli %parallel_loop3A_256, %parallel_loop3A_257 : i32
        %parallel_loop3A_259 = arith.index_cast %scan3A_80 : i32 to index
        %parallel_loop3A_260 = arith.index_cast %parallel_loop3A_258 : i32 to index
        %parallel_loop3A_261 = tpu.vector_load %arg5[%parallel_loop3A_259, %parallel_loop3A_260] {strides = array<i32>} : memref<32x1024xf32, #tpu.memory_space<vmem>>, vector<16xf32>,
        %parallel_loop3A_262 = arith.minimumf %parallel_loop3A_181, %parallel_loop3A_261 : vector<16xf32>
        %parallel_loop3A_263 = arith.maximumf %parallel_loop3A_189, %parallel_loop3A_261 : vector<16xf32>
        scf.yield %parallel_loop3A_199, %parallel_loop3A_208, %parallel_loop3A_217, %parallel_loop3A_226, %parallel_loop3A_235, %parallel_loop3A_244, %parallel_loop3A_253, %parallel_loop3A_262, %parallel_loop3A_200, %parallel_loop3A_209, %parallel_loop3A_218, %parallel_loop3A_227, %parallel_loop3A_236, %parallel_loop3A_245, %parallel_loop3A_254, %parallel_loop3A_263 : vector<16xf32>, vector<16xf32>, vector<16xf32>, vector<16xf32>, vector<16xf32>, vector<16xf32>, vector<16xf32>, vector<16xf32>, vector<16xf32>, vector<16xf32>, vector<16xf32>, vector<16xf32>, vector<16xf32>, vector<16xf32>, vector<16xf32>, vector<16xf32>
      } {sc.loop_unroll_factor = 1 : i64, sc.parallel_access}
      %min3A = arith.minimumf %parallel_loop3A_116#0, %parallel_loop3A_116#1 : vector<16xf32>
      %max3A = arith.maximumf %parallel_loop3A_116#8, %parallel_loop3A_116#9 : vector<16xf32>
      %min3A_117 = arith.minimumf %min3A, %parallel_loop3A_116#2 : vector<16xf32>
      %max3A_118 = arith.maximumf %max3A, %parallel_loop3A_116#10 : vector<16xf32>
      %min3A_119 = arith.minimumf %min3A_117, %parallel_loop3A_116#3 : vector<16xf32>
      %max3A_120 = arith.maximumf %max3A_118, %parallel_loop3A_116#11 : vector<16xf32>
      %min3A_121 = arith.minimumf %min3A_119, %parallel_loop3A_116#4 : vector<16xf32>
      %max3A_122 = arith.maximumf %max3A_120, %parallel_loop3A_116#12 : vector<16xf32>
      %min3A_123 = arith.minimumf %min3A_121, %parallel_loop3A_116#5 : vector<16xf32>
      %max3A_124 = arith.maximumf %max3A_122, %parallel_loop3A_116#13 : vector<16xf32>
      %min3A_125 = arith.minimumf %min3A_123, %parallel_loop3A_116#6 : vector<16xf32>
      %max3A_126 = arith.maximumf %max3A_124, %parallel_loop3A_116#14 : vector<16xf32>
      %min3A_127 = arith.minimumf %min3A_125, %parallel_loop3A_116#7 : vector<16xf32>
      %max3A_128 = arith.maximumf %max3A_126, %parallel_loop3A_116#15 : vector<16xf32>
      %reduce_min3A = arith.constant true
      %reduce_min3A_129 = vector.broadcast %reduce_min3A : i1 to vector<16xi1>
      %reduce_min3A_130 = tpu.scan <min>, %min3A_127 masked %reduce_min3A_129 : vector<16xf32>, vector<16xi1> -> vector<16xf32>
      %reduce_min3A_131 = vector.extract %reduce_min3A_130[15] : f32 from vector<16xf32>
      %reduce_max3A = arith.constant true
      %reduce_max3A_132 = vector.broadcast %reduce_max3A : i1 to vector<16xi1>
      %reduce_max3A_133 = tpu.scan <max>, %max3A_128 masked %reduce_max3A_132 : vector<16xf32>, vector<16xi1> -> vector<16xf32>
      %reduce_max3A_134 = vector.extract %reduce_max3A_133[15] : f32 from vector<16xf32>
      %sub3A = arith.subf %reduce_max3A_134, %reduce_min3A_131 : f32
      %mul3A_135 = arith.constant 1.562500e-02 : f32
      %mul3A_136 = arith.mulf %sub3A, %mul3A_135 : f32
      %broadcast_in_dim3A_137 = vector.broadcast %mul3A_136 : f32 to vector<16xf32>
      %gt3A = arith.constant 0.000000e+00 : f32
      %gt3A_138 = vector.broadcast %gt3A : f32 to vector<16xf32>
      %gt3A_139 = arith.cmpf ogt, %broadcast_in_dim3A_137, %gt3A_138 : vector<16xf32>
      %div3A = arith.divf %broadcast_in_dim3A_12, %broadcast_in_dim3A_137 : vector<16xf32>
      %select_n3A = arith.select %gt3A_139, %div3A, %broadcast_in_dim3A_6 : vector<16xi1>, vector<16xf32>
      %parallel_loop3A_140 = arith.constant 0 : i32
      %parallel_loop3A_141 = arith.constant 64 : i32
      %parallel_loop3A_142 = arith.constant 1 : i32
      scf.for %parallel_loop3A_173 = %parallel_loop3A_140 to %parallel_loop3A_141 step %parallel_loop3A_142  : i32 {
        %parallel_loop3A_174 = arith.constant 16 : i32
        %parallel_loop3A_175 = arith.muli %parallel_loop3A_173, %parallel_loop3A_174 : i32
        %parallel_loop3A_176 = arith.index_cast %scan3A_80 : i32 to index
        %parallel_loop3A_177 = arith.index_cast %parallel_loop3A_175 : i32 to index
        %parallel_loop3A_178 = tpu.vector_load %arg5[%parallel_loop3A_176, %parallel_loop3A_177] {strides = array<i32>} : memref<32x1024xf32, #tpu.memory_space<vmem>>, vector<16xf32>,
        %parallel_loop3A_179 = vector.broadcast %reduce_min3A_131 : f32 to vector<16xf32>
        %parallel_loop3A_180 = arith.subf %parallel_loop3A_178, %parallel_loop3A_179 : vector<16xf32>
        %parallel_loop3A_181 = arith.mulf %parallel_loop3A_180, %select_n3A : vector<16xf32>
        %parallel_loop3A_182 = arith.fptosi %parallel_loop3A_181 : vector<16xf32> to vector<16xi32>
        %parallel_loop3A_183 = arith.constant 63 : i32
        %parallel_loop3A_184 = vector.broadcast %parallel_loop3A_183 : i32 to vector<16xi32>
        %parallel_loop3A_185 = arith.minsi %parallel_loop3A_182, %parallel_loop3A_184 : vector<16xi32>
        tpu.vector_store_idx %arg6[%parallel_loop3A_185], %broadcast_in_dim3A_10 {add = true} : memref<64xi32, #tpu.memory_space<vmem>>[vector<16xi32>], vector<16xi32>,
      } {sc.loop_unroll_factor = 8 : i64, sc.parallel_access}
      %get3A = arith.constant 0 : index
      %get3A_143 = tpu.vector_load %arg6[%get3A] {strides = array<i32>} : memref<64xi32, #tpu.memory_space<vmem>>, vector<16xi32>,
      %swap3A_144 = arith.constant 0 : index
      %swap3A_145 = tpu.vector_load %arg6[%swap3A_144] {strides = array<i32>} : memref<64xi32, #tpu.memory_space<vmem>>, vector<16xi32>,
      tpu.vector_store %arg6[%swap3A_144], %broadcast_in_dim3A_8 {strides = array<i32>} : memref<64xi32, #tpu.memory_space<vmem>>, vector<16xi32>,
      %convert_element_type3A = arith.sitofp %get3A_143 : vector<16xi32> to vector<16xf32>
      %sub3A_146 = arith.subf %convert_element_type3A, %broadcast_in_dim3A_14 : vector<16xf32>
      %mul3A_147 = arith.mulf %sub3A_146, %sub3A_146 : vector<16xf32>
      %add3A_148 = arith.addf %scan3A_81, %mul3A_147 : vector<16xf32>
      %get3A_149 = arith.constant 16 : index
      %get3A_150 = tpu.vector_load %arg6[%get3A_149] {strides = array<i32>} : memref<64xi32, #tpu.memory_space<vmem>>, vector<16xi32>,
      %swap3A_151 = arith.constant 16 : index
      %swap3A_152 = tpu.vector_load %arg6[%swap3A_151] {strides = array<i32>} : memref<64xi32, #tpu.memory_space<vmem>>, vector<16xi32>,
      tpu.vector_store %arg6[%swap3A_151], %broadcast_in_dim3A_8 {strides = array<i32>} : memref<64xi32, #tpu.memory_space<vmem>>, vector<16xi32>,
      %convert_element_type3A_153 = arith.sitofp %get3A_150 : vector<16xi32> to vector<16xf32>
      %sub3A_154 = arith.subf %convert_element_type3A_153, %broadcast_in_dim3A_14 : vector<16xf32>
      %mul3A_155 = arith.mulf %sub3A_154, %sub3A_154 : vector<16xf32>
      %add3A_156 = arith.addf %add3A_148, %mul3A_155 : vector<16xf32>
      %get3A_157 = arith.constant 32 : index
      %get3A_158 = tpu.vector_load %arg6[%get3A_157] {strides = array<i32>} : memref<64xi32, #tpu.memory_space<vmem>>, vector<16xi32>,
      %swap3A_159 = arith.constant 32 : index
      %swap3A_160 = tpu.vector_load %arg6[%swap3A_159] {strides = array<i32>} : memref<64xi32, #tpu.memory_space<vmem>>, vector<16xi32>,
      tpu.vector_store %arg6[%swap3A_159], %broadcast_in_dim3A_8 {strides = array<i32>} : memref<64xi32, #tpu.memory_space<vmem>>, vector<16xi32>,
      %convert_element_type3A_161 = arith.sitofp %get3A_158 : vector<16xi32> to vector<16xf32>
      %sub3A_162 = arith.subf %convert_element_type3A_161, %broadcast_in_dim3A_14 : vector<16xf32>
      %mul3A_163 = arith.mulf %sub3A_162, %sub3A_162 : vector<16xf32>
      %add3A_164 = arith.addf %add3A_156, %mul3A_163 : vector<16xf32>
      %get3A_165 = arith.constant 48 : index
      %get3A_166 = tpu.vector_load %arg6[%get3A_165] {strides = array<i32>} : memref<64xi32, #tpu.memory_space<vmem>>, vector<16xi32>,
      %swap3A_167 = arith.constant 48 : index
      %swap3A_168 = tpu.vector_load %arg6[%swap3A_167] {strides = array<i32>} : memref<64xi32, #tpu.memory_space<vmem>>, vector<16xi32>,
      tpu.vector_store %arg6[%swap3A_167], %broadcast_in_dim3A_8 {strides = array<i32>} : memref<64xi32, #tpu.memory_space<vmem>>, vector<16xi32>,
      %convert_element_type3A_169 = arith.sitofp %get3A_166 : vector<16xi32> to vector<16xf32>
      %sub3A_170 = arith.subf %convert_element_type3A_169, %broadcast_in_dim3A_14 : vector<16xf32>
      %mul3A_171 = arith.mulf %sub3A_170, %sub3A_170 : vector<16xf32>
      %add3A_172 = arith.addf %add3A_164, %mul3A_171 : vector<16xf32>
      scf.yield %add3A_172 : vector<16xf32>
    }
    %scan3A_51 = arith.constant 32 : i32
    %add3A_52 = arith.constant 96 : i32
    %add3A_53 = arith.addi %mul3A_2, %add3A_52 : i32
    %dma_start3A_54 = arith.constant 0 : i32
    %dma_start3A_55 = tpu.memref_slice %arg2[%add3A_53, %dma_start3A_54] : memref<4096x1024xf32, #tpu.memory_space<hbm>> -> memref<32x1024xf32, #tpu.memory_space<hbm>>
    %dma_start3A_56 = arith.constant 0 : i32
    %dma_start3A_57 = tpu.memref_slice %arg2[%add3A_53, %dma_start3A_56] : memref<4096x1024xf32, #tpu.memory_space<hbm>> -> memref<32x1024xf32, #tpu.memory_space<hbm>>
    tpu.enqueue_dma source(%dma_start3A_57 : memref<32x1024xf32, #tpu.memory_space<hbm>>) target(%arg5 : memref<32x1024xf32, #tpu.memory_space<vmem>>) target_semaphore(%arg9 : memref<!tpu.dma_semaphore, #tpu.memory_space<semaphore_mem>>)
    %dma_wait3A_58 = arith.constant 0 : i32
    %dma_wait3A_59 = tpu.memref_slice %arg2[%add3A_37, %dma_wait3A_58] : memref<4096x1024xf32, #tpu.memory_space<hbm>> -> memref<32x1024xf32, #tpu.memory_space<hbm>>
    %dma_wait3A_60 = arith.constant 0 : i32
    %dma_wait3A_61 = tpu.memref_slice %arg2[%add3A_37, %dma_wait3A_60] : memref<4096x1024xf32, #tpu.memory_space<hbm>> -> memref<32x1024xf32, #tpu.memory_space<hbm>>
    tpu.wait_dma2 semaphore(%arg8 : memref<!tpu.dma_semaphore, #tpu.memory_space<semaphore_mem>>) src(%dma_wait3A_61 : memref<32x1024xf32, #tpu.memory_space<hbm>>) dst(%arg4 : memref<32x1024xf32, #tpu.memory_space<vmem>>)
    %scan3A_62 = arith.constant 0 : i32
    %scan3A_63 = arith.constant 32 : i32
    %scan3A_64 = arith.addi %scan3A_62, %scan3A_63 : i32
    %scan3A_65 = arith.constant 1 : i32
    %scan3A_66 = scf.for %scan3A_80 = %scan3A_62 to %scan3A_64 step %scan3A_65 iter_args(%scan3A_81 = %scan3A_50) -> (vector<16xf32>)  : i32 {
      %broadcast_in_dim3A_82 = arith.constant 0x7F800000 : f32
      %broadcast_in_dim3A_83 = vector.broadcast %broadcast_in_dim3A_82 : f32 to vector<16xf32>
      %broadcast_in_dim3A_84 = arith.constant 0x7F800000 : f32
      %broadcast_in_dim3A_85 = vector.broadcast %broadcast_in_dim3A_84 : f32 to vector<16xf32>
      %broadcast_in_dim3A_86 = arith.constant 0x7F800000 : f32
      %broadcast_in_dim3A_87 = vector.broadcast %broadcast_in_dim3A_86 : f32 to vector<16xf32>
      %broadcast_in_dim3A_88 = arith.constant 0x7F800000 : f32
      %broadcast_in_dim3A_89 = vector.broadcast %broadcast_in_dim3A_88 : f32 to vector<16xf32>
      %broadcast_in_dim3A_90 = arith.constant 0x7F800000 : f32
      %broadcast_in_dim3A_91 = vector.broadcast %broadcast_in_dim3A_90 : f32 to vector<16xf32>
      %broadcast_in_dim3A_92 = arith.constant 0x7F800000 : f32
      %broadcast_in_dim3A_93 = vector.broadcast %broadcast_in_dim3A_92 : f32 to vector<16xf32>
      %broadcast_in_dim3A_94 = arith.constant 0x7F800000 : f32
      %broadcast_in_dim3A_95 = vector.broadcast %broadcast_in_dim3A_94 : f32 to vector<16xf32>
      %broadcast_in_dim3A_96 = arith.constant 0x7F800000 : f32
      %broadcast_in_dim3A_97 = vector.broadcast %broadcast_in_dim3A_96 : f32 to vector<16xf32>
      %broadcast_in_dim3A_98 = arith.constant 0xFF800000 : f32
      %broadcast_in_dim3A_99 = vector.broadcast %broadcast_in_dim3A_98 : f32 to vector<16xf32>
      %broadcast_in_dim3A_100 = arith.constant 0xFF800000 : f32
      %broadcast_in_dim3A_101 = vector.broadcast %broadcast_in_dim3A_100 : f32 to vector<16xf32>
      %broadcast_in_dim3A_102 = arith.constant 0xFF800000 : f32
      %broadcast_in_dim3A_103 = vector.broadcast %broadcast_in_dim3A_102 : f32 to vector<16xf32>
      %broadcast_in_dim3A_104 = arith.constant 0xFF800000 : f32
      %broadcast_in_dim3A_105 = vector.broadcast %broadcast_in_dim3A_104 : f32 to vector<16xf32>
      %broadcast_in_dim3A_106 = arith.constant 0xFF800000 : f32
      %broadcast_in_dim3A_107 = vector.broadcast %broadcast_in_dim3A_106 : f32 to vector<16xf32>
      %broadcast_in_dim3A_108 = arith.constant 0xFF800000 : f32
      %broadcast_in_dim3A_109 = vector.broadcast %broadcast_in_dim3A_108 : f32 to vector<16xf32>
      %broadcast_in_dim3A_110 = arith.constant 0xFF800000 : f32
      %broadcast_in_dim3A_111 = vector.broadcast %broadcast_in_dim3A_110 : f32 to vector<16xf32>
      %broadcast_in_dim3A_112 = arith.constant 0xFF800000 : f32
      %broadcast_in_dim3A_113 = vector.broadcast %broadcast_in_dim3A_112 : f32 to vector<16xf32>
      %parallel_loop3A = arith.constant 0 : i32
      %parallel_loop3A_114 = arith.constant 8 : i32
      %parallel_loop3A_115 = arith.constant 1 : i32
      %parallel_loop3A_116:16 = scf.for %parallel_loop3A_173 = %parallel_loop3A to %parallel_loop3A_114 step %parallel_loop3A_115 iter_args(%parallel_loop3A_174 = %broadcast_in_dim3A_83, %parallel_loop3A_175 = %broadcast_in_dim3A_85, %parallel_loop3A_176 = %broadcast_in_dim3A_87, %parallel_loop3A_177 = %broadcast_in_dim3A_89, %parallel_loop3A_178 = %broadcast_in_dim3A_91, %parallel_loop3A_179 = %broadcast_in_dim3A_93, %parallel_loop3A_180 = %broadcast_in_dim3A_95, %parallel_loop3A_181 = %broadcast_in_dim3A_97, %parallel_loop3A_182 = %broadcast_in_dim3A_99, %parallel_loop3A_183 = %broadcast_in_dim3A_101, %parallel_loop3A_184 = %broadcast_in_dim3A_103, %parallel_loop3A_185 = %broadcast_in_dim3A_105, %parallel_loop3A_186 = %broadcast_in_dim3A_107, %parallel_loop3A_187 = %broadcast_in_dim3A_109, %parallel_loop3A_188 = %broadcast_in_dim3A_111, %parallel_loop3A_189 = %broadcast_in_dim3A_113) -> (vector<16xf32>, vector<16xf32>, vector<16xf32>, vector<16xf32>, vector<16xf32>, vector<16xf32>, vector<16xf32>, vector<16xf32>, vector<16xf32>, vector<16xf32>, vector<16xf32>, vector<16xf32>, vector<16xf32>, vector<16xf32>, vector<16xf32>, vector<16xf32>)  : i32 {
        %parallel_loop3A_190 = arith.constant 8 : i32
        %parallel_loop3A_191 = arith.muli %parallel_loop3A_173, %parallel_loop3A_190 : i32
        %parallel_loop3A_192 = arith.constant 0 : i32
        %parallel_loop3A_193 = arith.addi %parallel_loop3A_191, %parallel_loop3A_192 : i32
        %parallel_loop3A_194 = arith.constant 16 : i32
        %parallel_loop3A_195 = arith.muli %parallel_loop3A_193, %parallel_loop3A_194 : i32
        %parallel_loop3A_196 = arith.index_cast %scan3A_80 : i32 to index
        %parallel_loop3A_197 = arith.index_cast %parallel_loop3A_195 : i32 to index
        %parallel_loop3A_198 = tpu.vector_load %arg4[%parallel_loop3A_196, %parallel_loop3A_197] {strides = array<i32>} : memref<32x1024xf32, #tpu.memory_space<vmem>>, vector<16xf32>,
        %parallel_loop3A_199 = arith.minimumf %parallel_loop3A_174, %parallel_loop3A_198 : vector<16xf32>
        %parallel_loop3A_200 = arith.maximumf %parallel_loop3A_182, %parallel_loop3A_198 : vector<16xf32>
        %parallel_loop3A_201 = arith.constant 1 : i32
        %parallel_loop3A_202 = arith.addi %parallel_loop3A_191, %parallel_loop3A_201 : i32
        %parallel_loop3A_203 = arith.constant 16 : i32
        %parallel_loop3A_204 = arith.muli %parallel_loop3A_202, %parallel_loop3A_203 : i32
        %parallel_loop3A_205 = arith.index_cast %scan3A_80 : i32 to index
        %parallel_loop3A_206 = arith.index_cast %parallel_loop3A_204 : i32 to index
        %parallel_loop3A_207 = tpu.vector_load %arg4[%parallel_loop3A_205, %parallel_loop3A_206] {strides = array<i32>} : memref<32x1024xf32, #tpu.memory_space<vmem>>, vector<16xf32>,
        %parallel_loop3A_208 = arith.minimumf %parallel_loop3A_175, %parallel_loop3A_207 : vector<16xf32>
        %parallel_loop3A_209 = arith.maximumf %parallel_loop3A_183, %parallel_loop3A_207 : vector<16xf32>
        %parallel_loop3A_210 = arith.constant 2 : i32
        %parallel_loop3A_211 = arith.addi %parallel_loop3A_191, %parallel_loop3A_210 : i32
        %parallel_loop3A_212 = arith.constant 16 : i32
        %parallel_loop3A_213 = arith.muli %parallel_loop3A_211, %parallel_loop3A_212 : i32
        %parallel_loop3A_214 = arith.index_cast %scan3A_80 : i32 to index
        %parallel_loop3A_215 = arith.index_cast %parallel_loop3A_213 : i32 to index
        %parallel_loop3A_216 = tpu.vector_load %arg4[%parallel_loop3A_214, %parallel_loop3A_215] {strides = array<i32>} : memref<32x1024xf32, #tpu.memory_space<vmem>>, vector<16xf32>,
        %parallel_loop3A_217 = arith.minimumf %parallel_loop3A_176, %parallel_loop3A_216 : vector<16xf32>
        %parallel_loop3A_218 = arith.maximumf %parallel_loop3A_184, %parallel_loop3A_216 : vector<16xf32>
        %parallel_loop3A_219 = arith.constant 3 : i32
        %parallel_loop3A_220 = arith.addi %parallel_loop3A_191, %parallel_loop3A_219 : i32
        %parallel_loop3A_221 = arith.constant 16 : i32
        %parallel_loop3A_222 = arith.muli %parallel_loop3A_220, %parallel_loop3A_221 : i32
        %parallel_loop3A_223 = arith.index_cast %scan3A_80 : i32 to index
        %parallel_loop3A_224 = arith.index_cast %parallel_loop3A_222 : i32 to index
        %parallel_loop3A_225 = tpu.vector_load %arg4[%parallel_loop3A_223, %parallel_loop3A_224] {strides = array<i32>} : memref<32x1024xf32, #tpu.memory_space<vmem>>, vector<16xf32>,
        %parallel_loop3A_226 = arith.minimumf %parallel_loop3A_177, %parallel_loop3A_225 : vector<16xf32>
        %parallel_loop3A_227 = arith.maximumf %parallel_loop3A_185, %parallel_loop3A_225 : vector<16xf32>
        %parallel_loop3A_228 = arith.constant 4 : i32
        %parallel_loop3A_229 = arith.addi %parallel_loop3A_191, %parallel_loop3A_228 : i32
        %parallel_loop3A_230 = arith.constant 16 : i32
        %parallel_loop3A_231 = arith.muli %parallel_loop3A_229, %parallel_loop3A_230 : i32
        %parallel_loop3A_232 = arith.index_cast %scan3A_80 : i32 to index
        %parallel_loop3A_233 = arith.index_cast %parallel_loop3A_231 : i32 to index
        %parallel_loop3A_234 = tpu.vector_load %arg4[%parallel_loop3A_232, %parallel_loop3A_233] {strides = array<i32>} : memref<32x1024xf32, #tpu.memory_space<vmem>>, vector<16xf32>,
        %parallel_loop3A_235 = arith.minimumf %parallel_loop3A_178, %parallel_loop3A_234 : vector<16xf32>
        %parallel_loop3A_236 = arith.maximumf %parallel_loop3A_186, %parallel_loop3A_234 : vector<16xf32>
        %parallel_loop3A_237 = arith.constant 5 : i32
        %parallel_loop3A_238 = arith.addi %parallel_loop3A_191, %parallel_loop3A_237 : i32
        %parallel_loop3A_239 = arith.constant 16 : i32
        %parallel_loop3A_240 = arith.muli %parallel_loop3A_238, %parallel_loop3A_239 : i32
        %parallel_loop3A_241 = arith.index_cast %scan3A_80 : i32 to index
        %parallel_loop3A_242 = arith.index_cast %parallel_loop3A_240 : i32 to index
        %parallel_loop3A_243 = tpu.vector_load %arg4[%parallel_loop3A_241, %parallel_loop3A_242] {strides = array<i32>} : memref<32x1024xf32, #tpu.memory_space<vmem>>, vector<16xf32>,
        %parallel_loop3A_244 = arith.minimumf %parallel_loop3A_179, %parallel_loop3A_243 : vector<16xf32>
        %parallel_loop3A_245 = arith.maximumf %parallel_loop3A_187, %parallel_loop3A_243 : vector<16xf32>
        %parallel_loop3A_246 = arith.constant 6 : i32
        %parallel_loop3A_247 = arith.addi %parallel_loop3A_191, %parallel_loop3A_246 : i32
        %parallel_loop3A_248 = arith.constant 16 : i32
        %parallel_loop3A_249 = arith.muli %parallel_loop3A_247, %parallel_loop3A_248 : i32
        %parallel_loop3A_250 = arith.index_cast %scan3A_80 : i32 to index
        %parallel_loop3A_251 = arith.index_cast %parallel_loop3A_249 : i32 to index
        %parallel_loop3A_252 = tpu.vector_load %arg4[%parallel_loop3A_250, %parallel_loop3A_251] {strides = array<i32>} : memref<32x1024xf32, #tpu.memory_space<vmem>>, vector<16xf32>,
        %parallel_loop3A_253 = arith.minimumf %parallel_loop3A_180, %parallel_loop3A_252 : vector<16xf32>
        %parallel_loop3A_254 = arith.maximumf %parallel_loop3A_188, %parallel_loop3A_252 : vector<16xf32>
        %parallel_loop3A_255 = arith.constant 7 : i32
        %parallel_loop3A_256 = arith.addi %parallel_loop3A_191, %parallel_loop3A_255 : i32
        %parallel_loop3A_257 = arith.constant 16 : i32
        %parallel_loop3A_258 = arith.muli %parallel_loop3A_256, %parallel_loop3A_257 : i32
        %parallel_loop3A_259 = arith.index_cast %scan3A_80 : i32 to index
        %parallel_loop3A_260 = arith.index_cast %parallel_loop3A_258 : i32 to index
        %parallel_loop3A_261 = tpu.vector_load %arg4[%parallel_loop3A_259, %parallel_loop3A_260] {strides = array<i32>} : memref<32x1024xf32, #tpu.memory_space<vmem>>, vector<16xf32>,
        %parallel_loop3A_262 = arith.minimumf %parallel_loop3A_181, %parallel_loop3A_261 : vector<16xf32>
        %parallel_loop3A_263 = arith.maximumf %parallel_loop3A_189, %parallel_loop3A_261 : vector<16xf32>
        scf.yield %parallel_loop3A_199, %parallel_loop3A_208, %parallel_loop3A_217, %parallel_loop3A_226, %parallel_loop3A_235, %parallel_loop3A_244, %parallel_loop3A_253, %parallel_loop3A_262, %parallel_loop3A_200, %parallel_loop3A_209, %parallel_loop3A_218, %parallel_loop3A_227, %parallel_loop3A_236, %parallel_loop3A_245, %parallel_loop3A_254, %parallel_loop3A_263 : vector<16xf32>, vector<16xf32>, vector<16xf32>, vector<16xf32>, vector<16xf32>, vector<16xf32>, vector<16xf32>, vector<16xf32>, vector<16xf32>, vector<16xf32>, vector<16xf32>, vector<16xf32>, vector<16xf32>, vector<16xf32>, vector<16xf32>, vector<16xf32>
      } {sc.loop_unroll_factor = 1 : i64, sc.parallel_access}
      %min3A = arith.minimumf %parallel_loop3A_116#0, %parallel_loop3A_116#1 : vector<16xf32>
      %max3A = arith.maximumf %parallel_loop3A_116#8, %parallel_loop3A_116#9 : vector<16xf32>
      %min3A_117 = arith.minimumf %min3A, %parallel_loop3A_116#2 : vector<16xf32>
      %max3A_118 = arith.maximumf %max3A, %parallel_loop3A_116#10 : vector<16xf32>
      %min3A_119 = arith.minimumf %min3A_117, %parallel_loop3A_116#3 : vector<16xf32>
      %max3A_120 = arith.maximumf %max3A_118, %parallel_loop3A_116#11 : vector<16xf32>
      %min3A_121 = arith.minimumf %min3A_119, %parallel_loop3A_116#4 : vector<16xf32>
      %max3A_122 = arith.maximumf %max3A_120, %parallel_loop3A_116#12 : vector<16xf32>
      %min3A_123 = arith.minimumf %min3A_121, %parallel_loop3A_116#5 : vector<16xf32>
      %max3A_124 = arith.maximumf %max3A_122, %parallel_loop3A_116#13 : vector<16xf32>
      %min3A_125 = arith.minimumf %min3A_123, %parallel_loop3A_116#6 : vector<16xf32>
      %max3A_126 = arith.maximumf %max3A_124, %parallel_loop3A_116#14 : vector<16xf32>
      %min3A_127 = arith.minimumf %min3A_125, %parallel_loop3A_116#7 : vector<16xf32>
      %max3A_128 = arith.maximumf %max3A_126, %parallel_loop3A_116#15 : vector<16xf32>
      %reduce_min3A = arith.constant true
      %reduce_min3A_129 = vector.broadcast %reduce_min3A : i1 to vector<16xi1>
      %reduce_min3A_130 = tpu.scan <min>, %min3A_127 masked %reduce_min3A_129 : vector<16xf32>, vector<16xi1> -> vector<16xf32>
      %reduce_min3A_131 = vector.extract %reduce_min3A_130[15] : f32 from vector<16xf32>
      %reduce_max3A = arith.constant true
      %reduce_max3A_132 = vector.broadcast %reduce_max3A : i1 to vector<16xi1>
      %reduce_max3A_133 = tpu.scan <max>, %max3A_128 masked %reduce_max3A_132 : vector<16xf32>, vector<16xi1> -> vector<16xf32>
      %reduce_max3A_134 = vector.extract %reduce_max3A_133[15] : f32 from vector<16xf32>
      %sub3A = arith.subf %reduce_max3A_134, %reduce_min3A_131 : f32
      %mul3A_135 = arith.constant 1.562500e-02 : f32
      %mul3A_136 = arith.mulf %sub3A, %mul3A_135 : f32
      %broadcast_in_dim3A_137 = vector.broadcast %mul3A_136 : f32 to vector<16xf32>
      %gt3A = arith.constant 0.000000e+00 : f32
      %gt3A_138 = vector.broadcast %gt3A : f32 to vector<16xf32>
      %gt3A_139 = arith.cmpf ogt, %broadcast_in_dim3A_137, %gt3A_138 : vector<16xf32>
      %div3A = arith.divf %broadcast_in_dim3A_12, %broadcast_in_dim3A_137 : vector<16xf32>
      %select_n3A = arith.select %gt3A_139, %div3A, %broadcast_in_dim3A_6 : vector<16xi1>, vector<16xf32>
      %parallel_loop3A_140 = arith.constant 0 : i32
      %parallel_loop3A_141 = arith.constant 64 : i32
      %parallel_loop3A_142 = arith.constant 1 : i32
      scf.for %parallel_loop3A_173 = %parallel_loop3A_140 to %parallel_loop3A_141 step %parallel_loop3A_142  : i32 {
        %parallel_loop3A_174 = arith.constant 16 : i32
        %parallel_loop3A_175 = arith.muli %parallel_loop3A_173, %parallel_loop3A_174 : i32
        %parallel_loop3A_176 = arith.index_cast %scan3A_80 : i32 to index
        %parallel_loop3A_177 = arith.index_cast %parallel_loop3A_175 : i32 to index
        %parallel_loop3A_178 = tpu.vector_load %arg4[%parallel_loop3A_176, %parallel_loop3A_177] {strides = array<i32>} : memref<32x1024xf32, #tpu.memory_space<vmem>>, vector<16xf32>,
        %parallel_loop3A_179 = vector.broadcast %reduce_min3A_131 : f32 to vector<16xf32>
        %parallel_loop3A_180 = arith.subf %parallel_loop3A_178, %parallel_loop3A_179 : vector<16xf32>
        %parallel_loop3A_181 = arith.mulf %parallel_loop3A_180, %select_n3A : vector<16xf32>
        %parallel_loop3A_182 = arith.fptosi %parallel_loop3A_181 : vector<16xf32> to vector<16xi32>
        %parallel_loop3A_183 = arith.constant 63 : i32
        %parallel_loop3A_184 = vector.broadcast %parallel_loop3A_183 : i32 to vector<16xi32>
        %parallel_loop3A_185 = arith.minsi %parallel_loop3A_182, %parallel_loop3A_184 : vector<16xi32>
        tpu.vector_store_idx %arg6[%parallel_loop3A_185], %broadcast_in_dim3A_10 {add = true} : memref<64xi32, #tpu.memory_space<vmem>>[vector<16xi32>], vector<16xi32>,
      } {sc.loop_unroll_factor = 8 : i64, sc.parallel_access}
      %get3A = arith.constant 0 : index
      %get3A_143 = tpu.vector_load %arg6[%get3A] {strides = array<i32>} : memref<64xi32, #tpu.memory_space<vmem>>, vector<16xi32>,
      %swap3A_144 = arith.constant 0 : index
      %swap3A_145 = tpu.vector_load %arg6[%swap3A_144] {strides = array<i32>} : memref<64xi32, #tpu.memory_space<vmem>>, vector<16xi32>,
      tpu.vector_store %arg6[%swap3A_144], %broadcast_in_dim3A_8 {strides = array<i32>} : memref<64xi32, #tpu.memory_space<vmem>>, vector<16xi32>,
      %convert_element_type3A = arith.sitofp %get3A_143 : vector<16xi32> to vector<16xf32>
      %sub3A_146 = arith.subf %convert_element_type3A, %broadcast_in_dim3A_14 : vector<16xf32>
      %mul3A_147 = arith.mulf %sub3A_146, %sub3A_146 : vector<16xf32>
      %add3A_148 = arith.addf %scan3A_81, %mul3A_147 : vector<16xf32>
      %get3A_149 = arith.constant 16 : index
      %get3A_150 = tpu.vector_load %arg6[%get3A_149] {strides = array<i32>} : memref<64xi32, #tpu.memory_space<vmem>>, vector<16xi32>,
      %swap3A_151 = arith.constant 16 : index
      %swap3A_152 = tpu.vector_load %arg6[%swap3A_151] {strides = array<i32>} : memref<64xi32, #tpu.memory_space<vmem>>, vector<16xi32>,
      tpu.vector_store %arg6[%swap3A_151], %broadcast_in_dim3A_8 {strides = array<i32>} : memref<64xi32, #tpu.memory_space<vmem>>, vector<16xi32>,
      %convert_element_type3A_153 = arith.sitofp %get3A_150 : vector<16xi32> to vector<16xf32>
      %sub3A_154 = arith.subf %convert_element_type3A_153, %broadcast_in_dim3A_14 : vector<16xf32>
      %mul3A_155 = arith.mulf %sub3A_154, %sub3A_154 : vector<16xf32>
      %add3A_156 = arith.addf %add3A_148, %mul3A_155 : vector<16xf32>
      %get3A_157 = arith.constant 32 : index
      %get3A_158 = tpu.vector_load %arg6[%get3A_157] {strides = array<i32>} : memref<64xi32, #tpu.memory_space<vmem>>, vector<16xi32>,
      %swap3A_159 = arith.constant 32 : index
      %swap3A_160 = tpu.vector_load %arg6[%swap3A_159] {strides = array<i32>} : memref<64xi32, #tpu.memory_space<vmem>>, vector<16xi32>,
      tpu.vector_store %arg6[%swap3A_159], %broadcast_in_dim3A_8 {strides = array<i32>} : memref<64xi32, #tpu.memory_space<vmem>>, vector<16xi32>,
      %convert_element_type3A_161 = arith.sitofp %get3A_158 : vector<16xi32> to vector<16xf32>
      %sub3A_162 = arith.subf %convert_element_type3A_161, %broadcast_in_dim3A_14 : vector<16xf32>
      %mul3A_163 = arith.mulf %sub3A_162, %sub3A_162 : vector<16xf32>
      %add3A_164 = arith.addf %add3A_156, %mul3A_163 : vector<16xf32>
      %get3A_165 = arith.constant 48 : index
      %get3A_166 = tpu.vector_load %arg6[%get3A_165] {strides = array<i32>} : memref<64xi32, #tpu.memory_space<vmem>>, vector<16xi32>,
      %swap3A_167 = arith.constant 48 : index
      %swap3A_168 = tpu.vector_load %arg6[%swap3A_167] {strides = array<i32>} : memref<64xi32, #tpu.memory_space<vmem>>, vector<16xi32>,
      tpu.vector_store %arg6[%swap3A_167], %broadcast_in_dim3A_8 {strides = array<i32>} : memref<64xi32, #tpu.memory_space<vmem>>, vector<16xi32>,
      %convert_element_type3A_169 = arith.sitofp %get3A_166 : vector<16xi32> to vector<16xf32>
      %sub3A_170 = arith.subf %convert_element_type3A_169, %broadcast_in_dim3A_14 : vector<16xf32>
      %mul3A_171 = arith.mulf %sub3A_170, %sub3A_170 : vector<16xf32>
      %add3A_172 = arith.addf %add3A_164, %mul3A_171 : vector<16xf32>
      scf.yield %add3A_172 : vector<16xf32>
    }
    %scan3A_67 = arith.constant 32 : i32
    %dma_wait3A_68 = arith.constant 0 : i32
    %dma_wait3A_69 = tpu.memref_slice %arg2[%add3A_53, %dma_wait3A_68] : memref<4096x1024xf32, #tpu.memory_space<hbm>> -> memref<32x1024xf32, #tpu.memory_space<hbm>>
    %dma_wait3A_70 = arith.constant 0 : i32
    %dma_wait3A_71 = tpu.memref_slice %arg2[%add3A_53, %dma_wait3A_70] : memref<4096x1024xf32, #tpu.memory_space<hbm>> -> memref<32x1024xf32, #tpu.memory_space<hbm>>
    tpu.wait_dma2 semaphore(%arg9 : memref<!tpu.dma_semaphore, #tpu.memory_space<semaphore_mem>>) src(%dma_wait3A_71 : memref<32x1024xf32, #tpu.memory_space<hbm>>) dst(%arg5 : memref<32x1024xf32, #tpu.memory_space<vmem>>)
    %scan3A_72 = arith.constant 0 : i32
    %scan3A_73 = arith.constant 32 : i32
    %scan3A_74 = arith.addi %scan3A_72, %scan3A_73 : i32
    %scan3A_75 = arith.constant 1 : i32
    %scan3A_76 = scf.for %scan3A_80 = %scan3A_72 to %scan3A_74 step %scan3A_75 iter_args(%scan3A_81 = %scan3A_66) -> (vector<16xf32>)  : i32 {
      %broadcast_in_dim3A_82 = arith.constant 0x7F800000 : f32
      %broadcast_in_dim3A_83 = vector.broadcast %broadcast_in_dim3A_82 : f32 to vector<16xf32>
      %broadcast_in_dim3A_84 = arith.constant 0x7F800000 : f32
      %broadcast_in_dim3A_85 = vector.broadcast %broadcast_in_dim3A_84 : f32 to vector<16xf32>
      %broadcast_in_dim3A_86 = arith.constant 0x7F800000 : f32
      %broadcast_in_dim3A_87 = vector.broadcast %broadcast_in_dim3A_86 : f32 to vector<16xf32>
      %broadcast_in_dim3A_88 = arith.constant 0x7F800000 : f32
      %broadcast_in_dim3A_89 = vector.broadcast %broadcast_in_dim3A_88 : f32 to vector<16xf32>
      %broadcast_in_dim3A_90 = arith.constant 0x7F800000 : f32
      %broadcast_in_dim3A_91 = vector.broadcast %broadcast_in_dim3A_90 : f32 to vector<16xf32>
      %broadcast_in_dim3A_92 = arith.constant 0x7F800000 : f32
      %broadcast_in_dim3A_93 = vector.broadcast %broadcast_in_dim3A_92 : f32 to vector<16xf32>
      %broadcast_in_dim3A_94 = arith.constant 0x7F800000 : f32
      %broadcast_in_dim3A_95 = vector.broadcast %broadcast_in_dim3A_94 : f32 to vector<16xf32>
      %broadcast_in_dim3A_96 = arith.constant 0x7F800000 : f32
      %broadcast_in_dim3A_97 = vector.broadcast %broadcast_in_dim3A_96 : f32 to vector<16xf32>
      %broadcast_in_dim3A_98 = arith.constant 0xFF800000 : f32
      %broadcast_in_dim3A_99 = vector.broadcast %broadcast_in_dim3A_98 : f32 to vector<16xf32>
      %broadcast_in_dim3A_100 = arith.constant 0xFF800000 : f32
      %broadcast_in_dim3A_101 = vector.broadcast %broadcast_in_dim3A_100 : f32 to vector<16xf32>
      %broadcast_in_dim3A_102 = arith.constant 0xFF800000 : f32
      %broadcast_in_dim3A_103 = vector.broadcast %broadcast_in_dim3A_102 : f32 to vector<16xf32>
      %broadcast_in_dim3A_104 = arith.constant 0xFF800000 : f32
      %broadcast_in_dim3A_105 = vector.broadcast %broadcast_in_dim3A_104 : f32 to vector<16xf32>
      %broadcast_in_dim3A_106 = arith.constant 0xFF800000 : f32
      %broadcast_in_dim3A_107 = vector.broadcast %broadcast_in_dim3A_106 : f32 to vector<16xf32>
      %broadcast_in_dim3A_108 = arith.constant 0xFF800000 : f32
      %broadcast_in_dim3A_109 = vector.broadcast %broadcast_in_dim3A_108 : f32 to vector<16xf32>
      %broadcast_in_dim3A_110 = arith.constant 0xFF800000 : f32
      %broadcast_in_dim3A_111 = vector.broadcast %broadcast_in_dim3A_110 : f32 to vector<16xf32>
      %broadcast_in_dim3A_112 = arith.constant 0xFF800000 : f32
      %broadcast_in_dim3A_113 = vector.broadcast %broadcast_in_dim3A_112 : f32 to vector<16xf32>
      %parallel_loop3A = arith.constant 0 : i32
      %parallel_loop3A_114 = arith.constant 8 : i32
      %parallel_loop3A_115 = arith.constant 1 : i32
      %parallel_loop3A_116:16 = scf.for %parallel_loop3A_173 = %parallel_loop3A to %parallel_loop3A_114 step %parallel_loop3A_115 iter_args(%parallel_loop3A_174 = %broadcast_in_dim3A_83, %parallel_loop3A_175 = %broadcast_in_dim3A_85, %parallel_loop3A_176 = %broadcast_in_dim3A_87, %parallel_loop3A_177 = %broadcast_in_dim3A_89, %parallel_loop3A_178 = %broadcast_in_dim3A_91, %parallel_loop3A_179 = %broadcast_in_dim3A_93, %parallel_loop3A_180 = %broadcast_in_dim3A_95, %parallel_loop3A_181 = %broadcast_in_dim3A_97, %parallel_loop3A_182 = %broadcast_in_dim3A_99, %parallel_loop3A_183 = %broadcast_in_dim3A_101, %parallel_loop3A_184 = %broadcast_in_dim3A_103, %parallel_loop3A_185 = %broadcast_in_dim3A_105, %parallel_loop3A_186 = %broadcast_in_dim3A_107, %parallel_loop3A_187 = %broadcast_in_dim3A_109, %parallel_loop3A_188 = %broadcast_in_dim3A_111, %parallel_loop3A_189 = %broadcast_in_dim3A_113) -> (vector<16xf32>, vector<16xf32>, vector<16xf32>, vector<16xf32>, vector<16xf32>, vector<16xf32>, vector<16xf32>, vector<16xf32>, vector<16xf32>, vector<16xf32>, vector<16xf32>, vector<16xf32>, vector<16xf32>, vector<16xf32>, vector<16xf32>, vector<16xf32>)  : i32 {
        %parallel_loop3A_190 = arith.constant 8 : i32
        %parallel_loop3A_191 = arith.muli %parallel_loop3A_173, %parallel_loop3A_190 : i32
        %parallel_loop3A_192 = arith.constant 0 : i32
        %parallel_loop3A_193 = arith.addi %parallel_loop3A_191, %parallel_loop3A_192 : i32
        %parallel_loop3A_194 = arith.constant 16 : i32
        %parallel_loop3A_195 = arith.muli %parallel_loop3A_193, %parallel_loop3A_194 : i32
        %parallel_loop3A_196 = arith.index_cast %scan3A_80 : i32 to index
        %parallel_loop3A_197 = arith.index_cast %parallel_loop3A_195 : i32 to index
        %parallel_loop3A_198 = tpu.vector_load %arg5[%parallel_loop3A_196, %parallel_loop3A_197] {strides = array<i32>} : memref<32x1024xf32, #tpu.memory_space<vmem>>, vector<16xf32>,
        %parallel_loop3A_199 = arith.minimumf %parallel_loop3A_174, %parallel_loop3A_198 : vector<16xf32>
        %parallel_loop3A_200 = arith.maximumf %parallel_loop3A_182, %parallel_loop3A_198 : vector<16xf32>
        %parallel_loop3A_201 = arith.constant 1 : i32
        %parallel_loop3A_202 = arith.addi %parallel_loop3A_191, %parallel_loop3A_201 : i32
        %parallel_loop3A_203 = arith.constant 16 : i32
        %parallel_loop3A_204 = arith.muli %parallel_loop3A_202, %parallel_loop3A_203 : i32
        %parallel_loop3A_205 = arith.index_cast %scan3A_80 : i32 to index
        %parallel_loop3A_206 = arith.index_cast %parallel_loop3A_204 : i32 to index
        %parallel_loop3A_207 = tpu.vector_load %arg5[%parallel_loop3A_205, %parallel_loop3A_206] {strides = array<i32>} : memref<32x1024xf32, #tpu.memory_space<vmem>>, vector<16xf32>,
        %parallel_loop3A_208 = arith.minimumf %parallel_loop3A_175, %parallel_loop3A_207 : vector<16xf32>
        %parallel_loop3A_209 = arith.maximumf %parallel_loop3A_183, %parallel_loop3A_207 : vector<16xf32>
        %parallel_loop3A_210 = arith.constant 2 : i32
        %parallel_loop3A_211 = arith.addi %parallel_loop3A_191, %parallel_loop3A_210 : i32
        %parallel_loop3A_212 = arith.constant 16 : i32
        %parallel_loop3A_213 = arith.muli %parallel_loop3A_211, %parallel_loop3A_212 : i32
        %parallel_loop3A_214 = arith.index_cast %scan3A_80 : i32 to index
        %parallel_loop3A_215 = arith.index_cast %parallel_loop3A_213 : i32 to index
        %parallel_loop3A_216 = tpu.vector_load %arg5[%parallel_loop3A_214, %parallel_loop3A_215] {strides = array<i32>} : memref<32x1024xf32, #tpu.memory_space<vmem>>, vector<16xf32>,
        %parallel_loop3A_217 = arith.minimumf %parallel_loop3A_176, %parallel_loop3A_216 : vector<16xf32>
        %parallel_loop3A_218 = arith.maximumf %parallel_loop3A_184, %parallel_loop3A_216 : vector<16xf32>
        %parallel_loop3A_219 = arith.constant 3 : i32
        %parallel_loop3A_220 = arith.addi %parallel_loop3A_191, %parallel_loop3A_219 : i32
        %parallel_loop3A_221 = arith.constant 16 : i32
        %parallel_loop3A_222 = arith.muli %parallel_loop3A_220, %parallel_loop3A_221 : i32
        %parallel_loop3A_223 = arith.index_cast %scan3A_80 : i32 to index
        %parallel_loop3A_224 = arith.index_cast %parallel_loop3A_222 : i32 to index
        %parallel_loop3A_225 = tpu.vector_load %arg5[%parallel_loop3A_223, %parallel_loop3A_224] {strides = array<i32>} : memref<32x1024xf32, #tpu.memory_space<vmem>>, vector<16xf32>,
        %parallel_loop3A_226 = arith.minimumf %parallel_loop3A_177, %parallel_loop3A_225 : vector<16xf32>
        %parallel_loop3A_227 = arith.maximumf %parallel_loop3A_185, %parallel_loop3A_225 : vector<16xf32>
        %parallel_loop3A_228 = arith.constant 4 : i32
        %parallel_loop3A_229 = arith.addi %parallel_loop3A_191, %parallel_loop3A_228 : i32
        %parallel_loop3A_230 = arith.constant 16 : i32
        %parallel_loop3A_231 = arith.muli %parallel_loop3A_229, %parallel_loop3A_230 : i32
        %parallel_loop3A_232 = arith.index_cast %scan3A_80 : i32 to index
        %parallel_loop3A_233 = arith.index_cast %parallel_loop3A_231 : i32 to index
        %parallel_loop3A_234 = tpu.vector_load %arg5[%parallel_loop3A_232, %parallel_loop3A_233] {strides = array<i32>} : memref<32x1024xf32, #tpu.memory_space<vmem>>, vector<16xf32>,
        %parallel_loop3A_235 = arith.minimumf %parallel_loop3A_178, %parallel_loop3A_234 : vector<16xf32>
        %parallel_loop3A_236 = arith.maximumf %parallel_loop3A_186, %parallel_loop3A_234 : vector<16xf32>
        %parallel_loop3A_237 = arith.constant 5 : i32
        %parallel_loop3A_238 = arith.addi %parallel_loop3A_191, %parallel_loop3A_237 : i32
        %parallel_loop3A_239 = arith.constant 16 : i32
        %parallel_loop3A_240 = arith.muli %parallel_loop3A_238, %parallel_loop3A_239 : i32
        %parallel_loop3A_241 = arith.index_cast %scan3A_80 : i32 to index
        %parallel_loop3A_242 = arith.index_cast %parallel_loop3A_240 : i32 to index
        %parallel_loop3A_243 = tpu.vector_load %arg5[%parallel_loop3A_241, %parallel_loop3A_242] {strides = array<i32>} : memref<32x1024xf32, #tpu.memory_space<vmem>>, vector<16xf32>,
        %parallel_loop3A_244 = arith.minimumf %parallel_loop3A_179, %parallel_loop3A_243 : vector<16xf32>
        %parallel_loop3A_245 = arith.maximumf %parallel_loop3A_187, %parallel_loop3A_243 : vector<16xf32>
        %parallel_loop3A_246 = arith.constant 6 : i32
        %parallel_loop3A_247 = arith.addi %parallel_loop3A_191, %parallel_loop3A_246 : i32
        %parallel_loop3A_248 = arith.constant 16 : i32
        %parallel_loop3A_249 = arith.muli %parallel_loop3A_247, %parallel_loop3A_248 : i32
        %parallel_loop3A_250 = arith.index_cast %scan3A_80 : i32 to index
        %parallel_loop3A_251 = arith.index_cast %parallel_loop3A_249 : i32 to index
        %parallel_loop3A_252 = tpu.vector_load %arg5[%parallel_loop3A_250, %parallel_loop3A_251] {strides = array<i32>} : memref<32x1024xf32, #tpu.memory_space<vmem>>, vector<16xf32>,
        %parallel_loop3A_253 = arith.minimumf %parallel_loop3A_180, %parallel_loop3A_252 : vector<16xf32>
        %parallel_loop3A_254 = arith.maximumf %parallel_loop3A_188, %parallel_loop3A_252 : vector<16xf32>
        %parallel_loop3A_255 = arith.constant 7 : i32
        %parallel_loop3A_256 = arith.addi %parallel_loop3A_191, %parallel_loop3A_255 : i32
        %parallel_loop3A_257 = arith.constant 16 : i32
        %parallel_loop3A_258 = arith.muli %parallel_loop3A_256, %parallel_loop3A_257 : i32
        %parallel_loop3A_259 = arith.index_cast %scan3A_80 : i32 to index
        %parallel_loop3A_260 = arith.index_cast %parallel_loop3A_258 : i32 to index
        %parallel_loop3A_261 = tpu.vector_load %arg5[%parallel_loop3A_259, %parallel_loop3A_260] {strides = array<i32>} : memref<32x1024xf32, #tpu.memory_space<vmem>>, vector<16xf32>,
        %parallel_loop3A_262 = arith.minimumf %parallel_loop3A_181, %parallel_loop3A_261 : vector<16xf32>
        %parallel_loop3A_263 = arith.maximumf %parallel_loop3A_189, %parallel_loop3A_261 : vector<16xf32>
        scf.yield %parallel_loop3A_199, %parallel_loop3A_208, %parallel_loop3A_217, %parallel_loop3A_226, %parallel_loop3A_235, %parallel_loop3A_244, %parallel_loop3A_253, %parallel_loop3A_262, %parallel_loop3A_200, %parallel_loop3A_209, %parallel_loop3A_218, %parallel_loop3A_227, %parallel_loop3A_236, %parallel_loop3A_245, %parallel_loop3A_254, %parallel_loop3A_263 : vector<16xf32>, vector<16xf32>, vector<16xf32>, vector<16xf32>, vector<16xf32>, vector<16xf32>, vector<16xf32>, vector<16xf32>, vector<16xf32>, vector<16xf32>, vector<16xf32>, vector<16xf32>, vector<16xf32>, vector<16xf32>, vector<16xf32>, vector<16xf32>
      } {sc.loop_unroll_factor = 1 : i64, sc.parallel_access}
      %min3A = arith.minimumf %parallel_loop3A_116#0, %parallel_loop3A_116#1 : vector<16xf32>
      %max3A = arith.maximumf %parallel_loop3A_116#8, %parallel_loop3A_116#9 : vector<16xf32>
      %min3A_117 = arith.minimumf %min3A, %parallel_loop3A_116#2 : vector<16xf32>
      %max3A_118 = arith.maximumf %max3A, %parallel_loop3A_116#10 : vector<16xf32>
      %min3A_119 = arith.minimumf %min3A_117, %parallel_loop3A_116#3 : vector<16xf32>
      %max3A_120 = arith.maximumf %max3A_118, %parallel_loop3A_116#11 : vector<16xf32>
      %min3A_121 = arith.minimumf %min3A_119, %parallel_loop3A_116#4 : vector<16xf32>
      %max3A_122 = arith.maximumf %max3A_120, %parallel_loop3A_116#12 : vector<16xf32>
      %min3A_123 = arith.minimumf %min3A_121, %parallel_loop3A_116#5 : vector<16xf32>
      %max3A_124 = arith.maximumf %max3A_122, %parallel_loop3A_116#13 : vector<16xf32>
      %min3A_125 = arith.minimumf %min3A_123, %parallel_loop3A_116#6 : vector<16xf32>
      %max3A_126 = arith.maximumf %max3A_124, %parallel_loop3A_116#14 : vector<16xf32>
      %min3A_127 = arith.minimumf %min3A_125, %parallel_loop3A_116#7 : vector<16xf32>
      %max3A_128 = arith.maximumf %max3A_126, %parallel_loop3A_116#15 : vector<16xf32>
      %reduce_min3A = arith.constant true
      %reduce_min3A_129 = vector.broadcast %reduce_min3A : i1 to vector<16xi1>
      %reduce_min3A_130 = tpu.scan <min>, %min3A_127 masked %reduce_min3A_129 : vector<16xf32>, vector<16xi1> -> vector<16xf32>
      %reduce_min3A_131 = vector.extract %reduce_min3A_130[15] : f32 from vector<16xf32>
      %reduce_max3A = arith.constant true
      %reduce_max3A_132 = vector.broadcast %reduce_max3A : i1 to vector<16xi1>
      %reduce_max3A_133 = tpu.scan <max>, %max3A_128 masked %reduce_max3A_132 : vector<16xf32>, vector<16xi1> -> vector<16xf32>
      %reduce_max3A_134 = vector.extract %reduce_max3A_133[15] : f32 from vector<16xf32>
      %sub3A = arith.subf %reduce_max3A_134, %reduce_min3A_131 : f32
      %mul3A_135 = arith.constant 1.562500e-02 : f32
      %mul3A_136 = arith.mulf %sub3A, %mul3A_135 : f32
      %broadcast_in_dim3A_137 = vector.broadcast %mul3A_136 : f32 to vector<16xf32>
      %gt3A = arith.constant 0.000000e+00 : f32
      %gt3A_138 = vector.broadcast %gt3A : f32 to vector<16xf32>
      %gt3A_139 = arith.cmpf ogt, %broadcast_in_dim3A_137, %gt3A_138 : vector<16xf32>
      %div3A = arith.divf %broadcast_in_dim3A_12, %broadcast_in_dim3A_137 : vector<16xf32>
      %select_n3A = arith.select %gt3A_139, %div3A, %broadcast_in_dim3A_6 : vector<16xi1>, vector<16xf32>
      %parallel_loop3A_140 = arith.constant 0 : i32
      %parallel_loop3A_141 = arith.constant 64 : i32
      %parallel_loop3A_142 = arith.constant 1 : i32
      scf.for %parallel_loop3A_173 = %parallel_loop3A_140 to %parallel_loop3A_141 step %parallel_loop3A_142  : i32 {
        %parallel_loop3A_174 = arith.constant 16 : i32
        %parallel_loop3A_175 = arith.muli %parallel_loop3A_173, %parallel_loop3A_174 : i32
        %parallel_loop3A_176 = arith.index_cast %scan3A_80 : i32 to index
        %parallel_loop3A_177 = arith.index_cast %parallel_loop3A_175 : i32 to index
        %parallel_loop3A_178 = tpu.vector_load %arg5[%parallel_loop3A_176, %parallel_loop3A_177] {strides = array<i32>} : memref<32x1024xf32, #tpu.memory_space<vmem>>, vector<16xf32>,
        %parallel_loop3A_179 = vector.broadcast %reduce_min3A_131 : f32 to vector<16xf32>
        %parallel_loop3A_180 = arith.subf %parallel_loop3A_178, %parallel_loop3A_179 : vector<16xf32>
        %parallel_loop3A_181 = arith.mulf %parallel_loop3A_180, %select_n3A : vector<16xf32>
        %parallel_loop3A_182 = arith.fptosi %parallel_loop3A_181 : vector<16xf32> to vector<16xi32>
        %parallel_loop3A_183 = arith.constant 63 : i32
        %parallel_loop3A_184 = vector.broadcast %parallel_loop3A_183 : i32 to vector<16xi32>
        %parallel_loop3A_185 = arith.minsi %parallel_loop3A_182, %parallel_loop3A_184 : vector<16xi32>
        tpu.vector_store_idx %arg6[%parallel_loop3A_185], %broadcast_in_dim3A_10 {add = true} : memref<64xi32, #tpu.memory_space<vmem>>[vector<16xi32>], vector<16xi32>,
      } {sc.loop_unroll_factor = 8 : i64, sc.parallel_access}
      %get3A = arith.constant 0 : index
      %get3A_143 = tpu.vector_load %arg6[%get3A] {strides = array<i32>} : memref<64xi32, #tpu.memory_space<vmem>>, vector<16xi32>,
      %swap3A_144 = arith.constant 0 : index
      %swap3A_145 = tpu.vector_load %arg6[%swap3A_144] {strides = array<i32>} : memref<64xi32, #tpu.memory_space<vmem>>, vector<16xi32>,
      tpu.vector_store %arg6[%swap3A_144], %broadcast_in_dim3A_8 {strides = array<i32>} : memref<64xi32, #tpu.memory_space<vmem>>, vector<16xi32>,
      %convert_element_type3A = arith.sitofp %get3A_143 : vector<16xi32> to vector<16xf32>
      %sub3A_146 = arith.subf %convert_element_type3A, %broadcast_in_dim3A_14 : vector<16xf32>
      %mul3A_147 = arith.mulf %sub3A_146, %sub3A_146 : vector<16xf32>
      %add3A_148 = arith.addf %scan3A_81, %mul3A_147 : vector<16xf32>
      %get3A_149 = arith.constant 16 : index
      %get3A_150 = tpu.vector_load %arg6[%get3A_149] {strides = array<i32>} : memref<64xi32, #tpu.memory_space<vmem>>, vector<16xi32>,
      %swap3A_151 = arith.constant 16 : index
      %swap3A_152 = tpu.vector_load %arg6[%swap3A_151] {strides = array<i32>} : memref<64xi32, #tpu.memory_space<vmem>>, vector<16xi32>,
      tpu.vector_store %arg6[%swap3A_151], %broadcast_in_dim3A_8 {strides = array<i32>} : memref<64xi32, #tpu.memory_space<vmem>>, vector<16xi32>,
      %convert_element_type3A_153 = arith.sitofp %get3A_150 : vector<16xi32> to vector<16xf32>
      %sub3A_154 = arith.subf %convert_element_type3A_153, %broadcast_in_dim3A_14 : vector<16xf32>
      %mul3A_155 = arith.mulf %sub3A_154, %sub3A_154 : vector<16xf32>
      %add3A_156 = arith.addf %add3A_148, %mul3A_155 : vector<16xf32>
      %get3A_157 = arith.constant 32 : index
      %get3A_158 = tpu.vector_load %arg6[%get3A_157] {strides = array<i32>} : memref<64xi32, #tpu.memory_space<vmem>>, vector<16xi32>,
      %swap3A_159 = arith.constant 32 : index
      %swap3A_160 = tpu.vector_load %arg6[%swap3A_159] {strides = array<i32>} : memref<64xi32, #tpu.memory_space<vmem>>, vector<16xi32>,
      tpu.vector_store %arg6[%swap3A_159], %broadcast_in_dim3A_8 {strides = array<i32>} : memref<64xi32, #tpu.memory_space<vmem>>, vector<16xi32>,
      %convert_element_type3A_161 = arith.sitofp %get3A_158 : vector<16xi32> to vector<16xf32>
      %sub3A_162 = arith.subf %convert_element_type3A_161, %broadcast_in_dim3A_14 : vector<16xf32>
      %mul3A_163 = arith.mulf %sub3A_162, %sub3A_162 : vector<16xf32>
      %add3A_164 = arith.addf %add3A_156, %mul3A_163 : vector<16xf32>
      %get3A_165 = arith.constant 48 : index
      %get3A_166 = tpu.vector_load %arg6[%get3A_165] {strides = array<i32>} : memref<64xi32, #tpu.memory_space<vmem>>, vector<16xi32>,
      %swap3A_167 = arith.constant 48 : index
      %swap3A_168 = tpu.vector_load %arg6[%swap3A_167] {strides = array<i32>} : memref<64xi32, #tpu.memory_space<vmem>>, vector<16xi32>,
      tpu.vector_store %arg6[%swap3A_167], %broadcast_in_dim3A_8 {strides = array<i32>} : memref<64xi32, #tpu.memory_space<vmem>>, vector<16xi32>,
      %convert_element_type3A_169 = arith.sitofp %get3A_166 : vector<16xi32> to vector<16xf32>
      %sub3A_170 = arith.subf %convert_element_type3A_169, %broadcast_in_dim3A_14 : vector<16xf32>
      %mul3A_171 = arith.mulf %sub3A_170, %sub3A_170 : vector<16xf32>
      %add3A_172 = arith.addf %add3A_164, %mul3A_171 : vector<16xf32>
      scf.yield %add3A_172 : vector<16xf32>
    }
    %scan3A_77 = arith.constant 32 : i32
    %swap3A_78 = arith.constant 0 : index
    %swap3A_79 = tpu.vector_load %arg7[%swap3A_78] {strides = array<i32>} : memref<16xf32, #tpu.memory_space<vmem>>, vector<16xf32>,
    tpu.vector_store %arg7[%swap3A_78], %scan3A_76 {strides = array<i32>} : memref<16xf32, #tpu.memory_space<vmem>>, vector<16xf32>,
    "tpu.region"() ({
      %run_scoped3A = tpu.sem_alloc : memref<!tpu.dma_semaphore, #tpu.memory_space<semaphore_mem>>
      %dma_start3A_80 = arith.constant 0 : i32
      %dma_start3A_81 = tpu.memref_slice %arg3[%add3A, %dma_start3A_80] : memref<32x16xf32, #tpu.memory_space<hbm>> -> memref<1x16xf32, #tpu.memory_space<hbm>>
      %dma_start3A_82 = tpu.memref_squeeze %dma_start3A_81 : memref<1x16xf32, #tpu.memory_space<hbm>> -> memref<16xf32, #tpu.memory_space<hbm>>
      %dma_start3A_83 = arith.constant 0 : i32
      %dma_start3A_84 = tpu.memref_slice %arg3[%add3A, %dma_start3A_83] : memref<32x16xf32, #tpu.memory_space<hbm>> -> memref<1x16xf32, #tpu.memory_space<hbm>>
      %dma_start3A_85 = tpu.memref_squeeze %dma_start3A_84 : memref<1x16xf32, #tpu.memory_space<hbm>> -> memref<16xf32, #tpu.memory_space<hbm>>
      tpu.enqueue_dma source(%arg7 : memref<16xf32, #tpu.memory_space<vmem>>) target(%dma_start3A_85 : memref<16xf32, #tpu.memory_space<hbm>>) target_semaphore(%run_scoped3A : memref<!tpu.dma_semaphore, #tpu.memory_space<semaphore_mem>>)
      %dma_wait3A_86 = arith.constant 0 : i32
      %dma_wait3A_87 = tpu.memref_slice %arg3[%add3A, %dma_wait3A_86] : memref<32x16xf32, #tpu.memory_space<hbm>> -> memref<1x16xf32, #tpu.memory_space<hbm>>
      %dma_wait3A_88 = tpu.memref_squeeze %dma_wait3A_87 : memref<1x16xf32, #tpu.memory_space<hbm>> -> memref<16xf32, #tpu.memory_space<hbm>>
      %dma_wait3A_89 = arith.constant 0 : i32
      %dma_wait3A_90 = tpu.memref_slice %arg3[%add3A, %dma_wait3A_89] : memref<32x16xf32, #tpu.memory_space<hbm>> -> memref<1x16xf32, #tpu.memory_space<hbm>>
      %dma_wait3A_91 = tpu.memref_squeeze %dma_wait3A_90 : memref<1x16xf32, #tpu.memory_space<hbm>> -> memref<16xf32, #tpu.memory_space<hbm>>
      tpu.wait_dma2 semaphore(%run_scoped3A : memref<!tpu.dma_semaphore, #tpu.memory_space<semaphore_mem>>) src(%arg7 : memref<16xf32, #tpu.memory_space<vmem>>) dst(%dma_wait3A_91 : memref<16xf32, #tpu.memory_space<hbm>>)
      tpu.yield
    }) : () -> ()
    return
  }
}

</mosaic_0001>

<sc_bundles>
// kernel: kernel.3.cloned.1.call-start
scs
__scs_entry_jumppad:
0x0: {  	(pc) =	sbr.rel $0x88, $3  }
0x1: {  	(tag) =	ssettag $0x0;
	lr =	simm.s32 $0x1  }
0x2: {  	[smem:$0x3FA0] =	sst lr;
	_ =	strace $0xD0000000  }
0x3: {  	_ = 	snop  }
0x4: {  	_ = 	snop  }
0x5: {  	_ = 	snop  }
0x6: {  	_ = 	snop  }
0x7: {  	_ = 	snop  }
__scs_overlays_trampoline_lowered:
0x8: {  	[smem:$0x3FAF] =	sst s0  }
0x9: {  	[smem:$0x3FB0] =	sst s1  }
0xa: {  	[smem:$0x3FB1] =	sst s2  }
0xb: {  	[smem:$0x3FB2] =	sst s3  }
0xc: {  	[smem:$0x3FB3] =	sst s4  }
0xd: {  	[smem:$0x3FB4] =	sst s5  }
0xe: {  	[smem:$0x3FB5] =	sst s6  }
0xf: {  	[smem:$0x3FB6] =	sst s7  }
0x10: {  	[smem:$0x3FB7] =	sst s8  }
0x11: {  	[smem:$0x3FB8] =	sst s9;
	s0 =	simm.s32 @!p0 $0x0  }
0x12: {  	s1 =	sld [smem:$0x3F9E];
	s0 =	simm.s32 @p0 $0x1  }
0x13: {  	[smem:$0x3FB9] =	sst s0;
	s0 =	simm.s32 @!p1 $0x0  }
0x14: {  	s2 =	sld [smem:$0x3F9D];
	s0 =	simm.s32 @p1 $0x1  }
0x15: {  	[smem:$0x3FBA] =	sst s0;
	s0 =	simm.s32 @!p2 $0x0  }
0x16: {  	s3 =	sld [smem:$0x3FDB];
	s0 =	simm.s32 @p2 $0x1  }
0x17: {  	s4 =	simm.s32 $0x1BF5;
	[smem:$0x3FBC] =	sst s0  }
0x18: {  	s0 =	sld [smem:$0x3F9F];
	_ =	swait.ge [sflag:s4], $0x0  }
0x19: {  	s7 =	sld [smem:$0x3FA0]  }
0x1a: {  	s8 =	sadd.s32 $0xFFFFE003, lr  }
0x1b: {  	s9 =	sadd.s32 $0xFFFFFEF7, lr;
	s5 =	simm.s32 $0xFFFFFFFF;
	p2 =	slt.u32 s8, $0xFFFFF086  }
0x1c: {  	p1 =	slt.u32 s9, $0xF7A;
	s5 =	simm.s32 @!p2 $0x0  }
0x1d: {  	s5 =	simm.s32 @p1 $0x1;
	p0 =	seq.s32 s7, s2  }
0x1e: {  	s7 =	smul.u32 @!p0 $0xF7A, s2;
	p2 =	seq.s32 @!p0 s5, $0x0  }
0x1f: {  	s9 =	smul.u32 $0xF7A, s1;
	s8 =	simm.s32 @!p0 $0x1BF5;
	p2 =	por !p2, p0  }
0x20: {  	[sflag:s8] =	ssyncset.s32 @!p0 $0xFFFFF086;
	s6 =	sadd.s32 @!p0 s3, s7;
	s7 =	simm.s32 @!p0 $0x108  }
0x21: {  	s3 =	sadd.s32 s3, s9;
	s6 =	sadd.s32 @!p0 $0x88, s6;
	s7 =	simm.s32 @p2 $0x1082  }
0x22: {  	[simem:s7], [sflag:s8] =	dma.local @!p0 [hbm:s6], $0xF7A  }
0x23: {  	s9 =	sor.u32 $0xD0000000, s2;
	s6 =	simm.s32 $0x108;
	_ =	swait.ge @!p0 [sflag:s8], $0x0  }
0x24: {  	s3 =	sadd.s32 $0x88, s3;
	s6 =	simm.s32 @!p1 $0x1082;
	[sflag:s4] =	ssyncset.s32 $0xFFFFF086  }
0x25: {  	[simem:s6], [sflag:s4] =	dma.local [hbm:s3], $0xF7A  }
0x26: {  	[smem:$0x3FA0] =	sst s1;
	(tag) =	ssettag s2;
	_ =	strace s9  }
0x27: {  	s1 =	sld [smem:$0x3FB0]  }
0x28: {  	s2 =	sld [smem:$0x3FB1]  }
0x29: {  	s4 =	sld [smem:$0x3FB3]  }
0x2a: {  	p0 =	seq.s32 s5, $0x0;
	s5 =	sld [smem:$0x3FB4]  }
0x2b: {  	s6 =	sld [smem:$0x3FB5]  }
0x2c: {  	s7 =	sld [smem:$0x3FB6]  }
0x2d: {  	s3 =	simm.s32 $0x108;
	s8 =	sld [smem:$0x3FB7]  }
0x2e: {  	s3 =	simm.s32 @!p0 $0x1082;
	s9 =	sld [smem:$0x3FB8]  }
0x2f: {  	lr =	sadd.s32 s0, s3;
	s0 =	sld [smem:$0x3FAF]  }
0x30: {  	s3 =	sld [smem:$0x3FB2]  }
0x31: {  	[smem:$0x3FBB] =	sst s10  }
0x32: {  	s10 =	sld [smem:$0x3FB9];
	_ =	sdelay $0x3  }
0x33: {  	p0 =	seq.s32 s10, $0x1;
	s10 =	sld [smem:$0x3FBB];
	_ =	sdelay $0x3  }
0x34: {  	[smem:$0x3FBB] =	sst s10  }
0x35: {  	s10 =	sld [smem:$0x3FBA];
	_ =	sdelay $0x3  }
0x36: {  	p1 =	seq.s32 s10, $0x1;
	s10 =	sld [smem:$0x3FBB];
	_ =	sdelay $0x3  }
0x37: {  	[smem:$0x3FBB] =	sst s10  }
0x38: {  	s10 =	sld [smem:$0x3FBC]  }
0x39: {  	_ = 	snop;
	(pc) =	sbr.ind lr, $3  }
0x3a: {  	_ = 	snop  }
0x3b: {  	_ = 	snop  }
0x3c: {  	p2 =	seq.s32 s10, $0x1;
	s10 =	sld [smem:$0x3FBB]  }
0x3d: {  	_ =	shalt  }
0x3e: {  	_ =	shalt  }
0x3f: {  	_ =	shalt  }
0x40: {  	_ =	shalt  }
0x41: {  	_ =	shalt  }
0x42: {  	_ =	shalt  }
0x43: {  	_ =	shalt  }
0x44: {  	_ =	shalt  }
0x45: {  	_ =	shalt  }
0x46: {  	_ =	shalt  }
0x47: {  	_ =	shalt  }
0x48: {  	_ =	shalt  }
0x49: {  	_ =	shalt  }
0x4a: {  	_ =	shalt  }
0x4b: {  	_ =	shalt  }
0x4c: {  	_ =	shalt  }
0x4d: {  	_ =	shalt  }
0x4e: {  	_ =	shalt  }
0x4f: {  	_ =	shalt  }
0x50: {  	_ =	shalt  }
0x51: {  	_ =	shalt  }
0x52: {  	_ =	shalt  }
0x53: {  	_ =	shalt  }
0x54: {  	_ =	shalt  }
0x55: {  	_ =	shalt  }
0x56: {  	_ =	shalt  }
0x57: {  	_ =	shalt  }
0x58: {  	_ =	shalt  }
0x59: {  	_ =	shalt  }
0x5a: {  	_ =	shalt  }
0x5b: {  	_ =	shalt  }
0x5c: {  	_ =	shalt  }
0x5d: {  	_ =	shalt  }
0x5e: {  	_ =	shalt  }
0x5f: {  	_ =	shalt  }
0x60: {  	_ =	shalt  }
0x61: {  	_ =	shalt  }
0x62: {  	_ =	shalt  }
0x63: {  	_ =	shalt  }
0x64: {  	_ =	shalt  }
0x65: {  	_ =	shalt  }
0x66: {  	_ =	shalt  }
0x67: {  	_ =	shalt  }
0x68: {  	_ =	shalt  }
0x69: {  	_ =	shalt  }
0x6a: {  	_ =	shalt  }
0x6b: {  	_ =	shalt  }
0x6c: {  	_ =	shalt  }
0x6d: {  	_ =	shalt  }
0x6e: {  	_ =	shalt  }
0x6f: {  	_ =	shalt  }
0x70: {  	_ =	shalt  }
0x71: {  	_ =	shalt  }
0x72: {  	_ =	shalt  }
0x73: {  	_ =	shalt  }
0x74: {  	_ =	shalt  }
0x75: {  	_ =	shalt  }
0x76: {  	_ =	shalt  }
0x77: {  	_ =	shalt  }
0x78: {  	_ =	shalt  }
0x79: {  	_ =	shalt  }
0x7a: {  	_ =	shalt  }
0x7b: {  	_ =	shalt  }
0x7c: {  	_ =	shalt  }
0x7d: {  	_ =	shalt  }
0x7e: {  	_ =	shalt  }
0x7f: {  	_ =	shalt  }
0x80: {  	_ =	shalt  }
0x81: {  	_ =	shalt  }
0x82: {  	_ =	shalt  }
0x83: {  	_ =	shalt  }
0x84: {  	_ =	shalt  }
0x85: {  	_ =	shalt  }
0x86: {  	_ =	shalt  }
0x87: {  	_ =	shalt  }
.Lfunc_end0:
.L_simem_size_0:
called_computation_lowered:
.L_overlay_start_0:
0x88: {  	s2 =	sld [smem:$0x3FD9]  }
0x89: {  	s3 =	sld [smem:$0x3FFE];
	_ =	sdelay $0x1  }
0x8a: {  	s1 =	srdreg.scid  }
0x8b: {  	s0 =	sand.u32 $0x1, s1  }
0x8c: {  	s17 =	sshll.u32 s0, $0xA;
	s2 =	sadd.s32 s3, s2  }
0x8d: {  	s2 =	sadd.s32 s2, s17  }
0x8e: {  	[smem:$0x3FC7] =	sst s2  }
0x8f: {  	_ = 	snop  }
0x90: {  	s2 =	sld [smem:$0x3FC9];
	(tm) =	ssettm $0x1  }
0x91: {  	s18 =	sld [smem:$0x3FFB];
	_ =	sdelay $0x3  }
0x92: {  	_ =	strace s18  }
0x93: {  	s3 =	sld [smem:$0x3FFC];
	_ =	sdelay $0x3  }
0x94: {  	_ =	strace s3  }
0x95: {  	s3 =	sld [smem:$0x3FFD];
	_ =	sdelay $0x3  }
0x96: {  	_ =	strace s3  }
0x97: {  	_ =	strace $0x8FFFFFFF  }
0x98: {  	s19 =	sld [smem:$0x3FDB];
	_ =	sdelay $0x1  }
0x99: {  	s4 =	simm.s32 $_scs_section_size  }
0x9a: {  	s5 =	simm.s32 $_size__tile_overlayer_lowered;
	s6 =	simm.s32 $_tile_overlayer_lowered  }
0x9b: {  	s22 =	simm.s32 $0x1BFF;
	s21 =	sshll.u32 s6, $0x1;
	s3 =	sadd.s32 s4, s19  }
0x9c: {  	s7 =	simm.s32 $0x0;
	s20 =	sshll.u32 s5, $0x1;
	s5 =	sadd.s32 s21, s3  }
0x9d: {  	[timem:s7], [sflag:s22] =	dma.local [hbm:s5], s20  }
0x9e: {  	_ =	swait.ge [sflag:s22], s20  }
0x9f: {  	s4 =	ssub.s32 $0x0, s20;
	[sflag:s22] =	ssyncset.done $0x0  }
0xa0: {  	[sflag:s22] =	ssyncadd.s32 s4;
	_ =	sdelay $0x1  }
0xa1: {  	s23 =	simm.s32 $0x1B8B  }
0xa2: {  	_ =	swait.ge [sflag:s23], $0x1  }
0xa3: {  	[sflag:s23] =	ssyncset.done $0x0  }
0xa4: {  	s25 =	simm.s32 $0x1B8E;
	s24 =	sld [smem:$0x3FFE];
	[sflag:s23] =	ssyncadd.s32 $0xFFFFFFFF  }
0xa5: {  	s26 =	simm.s32 $execute0_lowered;
	[smem:$0x3FD2] =	sst s25  }
0xa6: {  	s5 =	sshll.u32 s26, $0x1;
	_ =	strace $0x80000046;
	[dreg:$0x1] =	wrdreg $0xFFFFFFFF  }
0xa7: {  	s28 =	simm.s32 $_size_execute0_lowered;
	s3 =	sadd.s32 s3, s5;
	[dreg:$0x0] =	wrdreg $0x0  }
0xa8: {  	s5 =	sshll.u32 s28, $0x1;
	[dreg:$0x2] =	wrdreg s3  }
0xa9: {  	[dreg:$0x3] =	wrdreg s5  }
0xaa: {  	[dreg:$0x4] =	wrdreg $0xC0  }
0xab: {  	_ =	task [dreg:s7], $0x5FFFF  }
0xac: {  	[dreg:$0x1] =	wrdreg $0xFFFFFFFF  }
0xad: {  	[dreg:$0x0] =	wrdreg $0x60  }
0xae: {  	[dreg:$0x2] =	wrdreg s2  }
0xaf: {  	[dreg:$0x3] =	wrdreg s24  }
0xb0: {  	[dreg:$0x4] =	wrdreg $0x9  }
0xb1: {  	_ =	task.clear_ibuf [dreg:s7], $0x5FFFF;
	_ =	strace $0x90000046  }
0xb2: {  	s29 =	simm.s32 $0x9;
	_ =	strace $0x80000048  }
0xb3: {  	_ =	swait.ge [sflag:s29], $0x1  }
0xb4: {  	[sflag:s29] =	ssyncadd.s32 $0xFFFFFFFF  }
0xb5: {  	_ =	strace $0x90000048  }
0xb6: {  	_ =	sfence  }
0xb7: {  	s30 =	sld [smem:$0x0];
	_ =	sdelay $0x2  }
0xb8: {  	s31 =	sshll.u32 s1, $0xD;
	s1 =	sshrl.u32 s1, $0x2  }
0xb9: {  	s3 =	sand.u32 $0x4000, s31;
	s1 =	sadd.s32 s1, s30  }
0xba: {  	s0 =	sor.u32 s3, s0;
	s1 =	sshll.u32 s1, $0x11  }
0xbb: {  	s0 =	sor.u32 s1, s0  }
0xbc: {  	s0 =	sadd.s32 $0x8F2B, s0  }
0xbd: {  	[sflag:s0] =	ssyncadd.remote.s32 $0x1  }
0xbe: {  	_ =	sfence.sel $0xFFFF  }
0xbf: {  	[dreg:$0x0] =	wrdreg $0xFFFFFFFF;
	(pc) =	sbr.abs _section_cstart, $3  }
0xc0: {  	[dreg:$0x1] =	wrdreg $0xFFFFFFFF  }
0xc1: {  	_ =	task.clear_ibuf [dreg:s7], $0x2FFFF;
	_ =	strace $0x9FFFFFFF  }
0xc2: {  	(tm) =	ssettm $0x7FFFFFFF  }
0xc3: {  	_ =	shalt  }
tec
execute0_lowered:
.L_overlay_start_1:
0x0: {  	(tag) =	ssettag $0x1  }
0x1: {  	s3 =	rddreg [dreg:$0x0];
	s1 =	srdreg.scid  }
0x2: {  	s0 =	stileid.u32;
	s7 =	rddreg [dreg:$0x1];
	s10 =	simm.s32 $0x1  }
0x3: {  	s11 =	simm.s32 $0x10000;
	s12 =	simm.s32 $0x2;
	s13 =	simm.s32 $0x10080  }
0x4: {  	s14 =	simm.s32 $0x3;
	s4 =	sand.u32 $0x1, s1;
	s2 =	sshll.u32 s0, $0x1  }
0x5: {  	s15 =	simm.s32 $0x0;
	s1 =	rddreg [dreg:$0x2];
	s8 =	sor.u32 s4, s2  }
0x6: {  	s2 =	simm.s32 $0x0;
	s4 =	ssub.s32 $0x2, s4;
	s5 =	sshll.u32 s8, $0xE  }
0x7: {  	[smem:$0x7FF] =	sst s2;
	s6 =	sshrl.u32 s4, $0x1;
	s8 =	sshll.u32 s8, $0x4  }
0x8: {  	s3 =	sadd.s32 s3, s5;
	_ =	strace $0x80000047;
	s9 =	ssub.s32 s4, s6  }
0x9: {  	s7 =	sadd.s32 s7, s8;
	s4 =	sadd.s32 $0x1000, s3;
	s5 =	sadd.s32 $0x2000, s3  }
0xa: {  	v0 =	vimm.s32 $0x0;
	v1 =	vimm.s32 $0x1;
	s6 =	sadd.s32 $0x3000, s3;
	s8 =	smax.u32 s9, $0x1;
	s9 =	simm.s32 $0x8000  }
.LBB2_1:
0xb: {  	[tilespmem:s2], [sflag:$0x1] =	stream.linear.gather [hbm4b:s3+s2], $0x8000, $0x38;
	[tilespmem:$0x10100] =	vst v63  }
0xc: {  	[tilespmem:$0x10000] =	vst v0  }
0xd: {  	[tilespmem:$0x10010] =	vst v0  }
0xe: {  	[tilespmem:$0x10020] =	vst v0  }
0xf: {  	[tilespmem:$0x10030] =	vst v0  }
0x10: {  	[tilespmem:s9], [sflag:$0x2] =	stream.linear.gather [hbm4b:s4+s2], $0x8000, $0x38;
	[tilespmem:$0x10100] =	vst v63  }
0x11: {  	_ =	swait.ge [sflag:s10], $0x8000  }
0x12: {  	s16 =	simm.s32 $0x0;
	[sflag:s10] =	ssyncset.done $0x0  }
0x13: {  	v2 =	vimm.f32 $0.0e+00;
	s17 =	simm.s32 $0x0;
	s18 =	simm.s32 $0x0;
	[sflag:s10] =	ssyncadd.s32 $0xFFFF8000  }
.LBB2_2:
0x14: {  	s19 =	sshll.u32 s17, $0x2;
	s20 =	sand.u32 $0x7, s16  }
0x15: {  	s19 =	sand.u32 $0xFFFF8000, s19;
	s20 =	sshll.u32 s20, $0x9  }
0x16: {  	s19 =	sor.u32 s20, s19  }
0x17: {  	s19 =	sshrl.u32 s19, $0x2  }
0x18: {  	s19 =	sor.u32 $0x40, s19  }
0x19: {  	v4 =	vmov s19;
	_ =	sdelay $0x3  }
0x1a: {  	s22 =	simm.s32 $0x0  }
0x1b: {  	v3 =	vld.idx.msk [tilespmem:v4+s22+$0x30 ss:$0x1], $0xffff  }
0x1c: {  	v7 =	vld.idx.msk [tilespmem:v4+s22+$0xFFFFFFC0 ss:$0x1], $0xffff  }
0x1d: {  	v8 =	vimm.f32 $+Inf;
	v15 =	vld.idx.msk [tilespmem:v4+s22+$0xFFFFFFD0 ss:$0x1], $0xffff  }
0x1e: {  	v9 =	vimm.f32 $-Inf;
	v12 =	vimm.f32 $+Inf;
	v16 =	vimm.f32 $-Inf;
	v10 =	vld.idx.msk [tilespmem:v4+s22+$0xFFFFFFE0 ss:$0x1], $0xffff  }
0x1f: {  	v17 =	vimm.f32 $+Inf;
	v13 =	vimm.f32 $-Inf;
	v18 =	vimm.f32 $+Inf;
	v11 =	vld.idx.msk [tilespmem:v4+s22+$0xFFFFFFF0 ss:$0x1], $0xffff  }
0x20: {  	v20 =	vimm.f32 $-Inf;
	v14 =	vimm.f32 $+Inf;
	v22 =	vimm.f32 $-Inf;
	v19 =	vld.idx.msk [tilespmem:v4+s22+$0x0 ss:$0x1], $0xffff  }
0x21: {  	v23 =	vimm.f32 $+Inf;
	v24 =	vimm.f32 $-Inf;
	v21 =	vld.idx.msk [tilespmem:v4+s22+$0x10 ss:$0x1], $0xffff;
	v5 =	vmin.f32 v8, v3  }
0x22: {  	s21 =	simm.s32 $0x2000;
	s20 =	simm.s32 $0x400;
	v25 =	vld.idx.msk [tilespmem:v4+s22+$0x20 ss:$0x1], $0xffff;
	v3 =	vmax.f32 v9, v3;
	v6 =	vmin.f32 v8, v7;
	v7 =	vmax.f32 v9, v7  }
.LBB2_3:
0x23: {  	p0 =	sne.s32 s21, $0x7000;
	v26 =	vld.idx.msk [tilespmem:v4+s20+$0x30 ss:$0x1], $0xffff;
	v8 =	vmin.f32 v8, v15;
	v9 =	vmax.f32 v9, v15  }
0x24: {  	v12 =	vmin.f32 v12, v10;
	v16 =	vmax.f32 v16, v10;
	v27 =	vld.idx.msk [tilespmem:v4+s20+$0xFFFFFFC0 ss:$0x1], $0xffff  }
0x25: {  	v17 =	vmin.f32 v17, v11;
	v13 =	vmax.f32 v13, v11;
	v15 =	vld.idx.msk [tilespmem:v4+s20+$0xFFFFFFD0 ss:$0x1], $0xffff  }
.Ltmp0:
0x26: {  	v18 =	vmin.f32 v18, v19;
	v20 =	vmax.f32 v20, v19;
	v10 =	vld.idx.msk [tilespmem:v4+s20+$0xFFFFFFE0 ss:$0x1], $0xffff;
	(pc) =	sbr.rel @p0 .LBB2_3-.Ltmp0, $4  }
0x27: {  	v14 =	vmin.f32 v14, v21;
	v22 =	vmax.f32 v22, v21;
	v11 =	vld.idx.msk [tilespmem:v4+s20+$0xFFFFFFF0 ss:$0x1], $0xffff  }
0x28: {  	v23 =	vmin.f32 v23, v25;
	v24 =	vmax.f32 v24, v25;
	v19 =	vld.idx.msk [tilespmem:v4+s20+$0x0 ss:$0x1], $0xffff  }
0x29: {  	v5 =	vmin.f32 v5, v26;
	v3 =	vmax.f32 v3, v26;
	v21 =	vld.idx.msk [tilespmem:v4+s20+$0x10 ss:$0x1], $0xffff  }
0x2a: {  	v6 =	vmin.f32 v6, v27;
	v7 =	vmax.f32 v7, v27;
	v25 =	vld.idx.msk [tilespmem:v4+s20+$0x20 ss:$0x1], $0xffff;
	s20 =	sshra.s32 s21, $0x2;
	s21 =	sadd.s32 $0x1000, s21  }
0x2b: {  	_ =	sdelay $0x3  }
0x2c: {  	v26 =	vld.idx.msk [tilespmem:v4+s20+$0x30 ss:$0x1], $0xffff  }
0x2d: {  	v27 =	vld.idx.msk [tilespmem:v4+s20+$0xFFFFFFC0 ss:$0x1], $0xffff  }
0x2e: {  	v28 =	vld.idx.msk [tilespmem:v4+s20+$0xFFFFFFD0 ss:$0x1], $0xffff  }
0x2f: {  	v8 =	vmin.f32 v8, v15;
	v9 =	vmax.f32 v9, v15;
	v15 =	vld.idx.msk [tilespmem:v4+s20+$0xFFFFFFE0 ss:$0x1], $0xffff  }
0x30: {  	v12 =	vmin.f32 v12, v10;
	v10 =	vmax.f32 v16, v10;
	v16 =	vmin.f32 v17, v11;
	v17 =	vld.idx.msk [tilespmem:v4+s20+$0xFFFFFFF0 ss:$0x1], $0xffff  }
0x31: {  	v61 =	vld.idx.msk [tilespmem:v4+s20+$0x10 ss:$0x1], $0xffff;
	v11 =	vmax.f32 v13, v11;
	v13 =	vmin.f32 v18, v19;
	v18 =	vmax.f32 v20, v19  }
0x32: {  	v19 =	vld.idx.msk [tilespmem:v4+s20+$0x0 ss:$0x1], $0xffff;
	v14 =	vmin.f32 v14, v21;
	v20 =	vmax.f32 v22, v21;
	v59 =	vmin.f32 v23, v25  }
0x33: {  	v60 =	vmax.f32 v24, v25;
	v5 =	vmin.f32 v5, v26;
	v6 =	vmin.f32 v6, v27  }
0x34: {  	v7 =	vmax.f32 v7, v27;
	v8 =	vmin.f32 v8, v28;
	v9 =	vmax.f32 v9, v28  }
0x35: {  	v4 =	vld.idx.msk [tilespmem:v4+s20+$0x20 ss:$0x1], $0xffff;
	v12 =	vmin.f32 v12, v15;
	v10 =	vmax.f32 v10, v15;
	v15 =	vmin.f32 v16, v17  }
0x36: {  	v11 =	vmax.f32 v11, v17;
	v6 =	vmin.f32 v6, v8;
	v7 =	vmax.f32 v7, v9  }
0x37: {  	v9 =	vmin.f32 v14, v61;
	v13 =	vmin.f32 v13, v19;
	v6 =	vmin.f32 v6, v12  }
0x38: {  	v8 =	vmax.f32 v18, v19;
	v7 =	vmax.f32 v7, v10;
	v6 =	vmin.f32 v6, v15  }
0x39: {  	v10 =	vmax.f32 v20, v61;
	v7 =	vmax.f32 v7, v11;
	v6 =	vmin.f32 v6, v13  }
0x3a: {  	v11 =	vmin.f32 v59, v4;
	v7 =	vmax.f32 v7, v8;
	v6 =	vmin.f32 v6, v9  }
0x3b: {  	v4 =	vmax.f32 v60, v4;
	v7 =	vmax.f32 v7, v10;
	v6 =	vmin.f32 v6, v11  }
0x3c: {  	v3 =	vmax.f32 v3, v26;
	v4 =	vmax.f32 v7, v4;
	v5 =	vmin.f32 v6, v5  }
0x3d: {  	v3 =	vmax.f32 v4, v3;
	(xrf0) =	vmin.scan.msk.f32 $0xffff, v5  }
0x3e: {  	(xrf0) =	vmax.scan.msk.f32 $0xffff, v3;
	_ =	sdelay $0x4  }
0x3f: {  	v3, _, _ =	vpop (xrf0)  }
0x40: {  	(v2sf) =	vpush v3, $0xF;
	v4, _, _ =	vpop (xrf0)  }
0x41: {  	(v2sf) =	vpush v4, $0xF;
	_ =	sdelay $0xd  }
0x42: {  	s30 =	spop (v2sf)  }
0x43: {  	s21 =	spop (v2sf)  }
0x44: {  	s20 =	ssub.f32 s21, s30;
	_ =	sdelay $0x1  }
0x45: {  	s20 =	smul.f32 $1.562500000e-02, s20;
	_ =	sdelay $0x1  }
0x46: {  	v8 =	vld [tilespmem:s19+$0xFFFFFFF0];
	v4 =	vmov s20  }
0x47: {  	v9 =	vld [tilespmem:s19+$0x0];
	(erf) = vrcp.f32 v4  }
0x48: {  	v7 =	vld [tilespmem:s19+$0xFFFFFFE0]  }
0x49: {  	v5 =	vld [tilespmem:s19+$0x30]  }
0x4a: {  	v6 =	vld [tilespmem:s19+$0xFFFFFFD0]  }
0x4b: {  	v10 =	vld [tilespmem:s19+$0x10]  }
0x4c: {  	v11 =	vld [tilespmem:s19+$0x20];
	v3 =	vbroadcast v3, $0xF  }
0x4d: {  	s31 =	sadd.s32 $0x400, s19;
	v12 =	vld [tilespmem:s19+$0xFFFFFFC0]  }
0x4e: {  	v13 =	vld [tilespmem:s31+$0x30];
	v5 =	vsub.f32 v5, v3  }
0x4f: {  	v15 =	vld [tilespmem:s31+$0xFFFFFFE0];
	v6 =	vsub.f32 v6, v3;
	v7 =	vsub.f32 v7, v3  }
0x50: {  	v8 =	vsub.f32 v8, v3;
	v9 =	vsub.f32 v9, v3;
	vm0 =	vgt.f32 v4, $0.0e+00;
	v4 =	vpop (erf)  }
0x51: {  	v10 =	vsub.f32 v10, v3;
	v11 =	vsub.f32 v11, v3;
	v4 =	vnsel vm0, $0x0, v4  }
0x52: {  	v12 =	vsub.f32 v12, v3;
	v5 =	vmul.f32 v5, v4;
	v6 =	vmul.f32 v6, v4  }
0x53: {  	v13 =	vsub.f32 v13, v3;
	v7 =	vmul.f32 v7, v4;
	v8 =	vmul.f32 v8, v4  }
0x54: {  	v15 =	vsub.f32 v15, v3;
	v9 =	vmul.f32 v9, v4;
	v10 =	vmul.f32 v10, v4  }
0x55: {  	v11 =	vmul.f32 v11, v4;
	v12 =	vmul.f32 v12, v4  }
0x56: {  	v13 =	vmul.f32 v13, v4;
	v63 =	vmul.f32 v15, v4  }
0x57: {  	v5 =	vtrunc.f32 v5;
	v6 =	vtrunc.f32 v6  }
0x58: {  	v7 =	vtrunc.f32 v7;
	v8 =	vtrunc.f32 v8  }
0x59: {  	v20 =	vld [tilespmem:s31+$0xFFFFFFC0];
	v9 =	vtrunc.f32 v9;
	v10 =	vtrunc.f32 v10  }
0x5a: {  	v14 =	vld [tilespmem:s31+$0xFFFFFFD0];
	v12 =	vtrunc.f32 v12;
	v11 =	vtrunc.f32 v11  }
0x5b: {  	v13 =	vtrunc.f32 v13;
	v5 =	vcvt.f32.s32 v5  }
0x5c: {  	v12 =	vcvt.f32.s32 v12;
	v18 =	vcvt.f32.s32 v6  }
0x5d: {  	v19 =	vcvt.f32.s32 v7;
	v7 =	vcvt.f32.s32 v9;
	v9 =	vld [tilespmem:s31+$0x0]  }
0x5e: {  	v20 =	vsub.f32 v20, v3;
	v8 =	vcvt.f32.s32 v8;
	v6 =	vcvt.f32.s32 v10  }
0x5f: {  	v17 =	vld [tilespmem:s31+$0xFFFFFFF0];
	v10 =	vsub.f32 v14, v3;
	v13 =	vcvt.f32.s32 v13;
	vm0 =	vlt.s32 v5, $0x3F  }
0x60: {  	vm1 =	vlt.s32 v12, $0x3F;
	v16 =	vnsel vm0, $0x3F, v5;
	v5 =	vcvt.f32.s32 v11;
	v11 =	vld [tilespmem:s31+$0x10]  }
0x61: {  	v14 =	vld [tilespmem:s31+$0x20];
	vm4 =	vlt.s32 v18, $0x3F;
	vm5 =	vlt.s32 v19, $0x3F;
	vm3 =	vlt.s32 v8, $0x3F  }
0x62: {  	vm2 =	vlt.s32 v7, $0x3F;
	v10 =	vmul.f32 v10, v4;
	v9 =	vsub.f32 v9, v3  }
0x63: {  	vm0 =	vlt.s32 v6, $0x3F;
	v62 =	vnsel vm1, $0x3F, v12;
	vm1 =	vlt.s32 v13, $0x3F  }
0x64: {  	v12 =	vnsel vm1, $0x3F, v13;
	v13 =	vsub.f32 v17, v3;
	v15 =	vmul.f32 v9, v4  }
0x65: {  	v9 =	vnsel vm4, $0x3F, v18;
	v18 =	vmul.f32 v20, v4;
	v17 =	vsub.f32 v11, v3  }
0x66: {  	v14 =	vsub.f32 v14, v3;
	v11 =	vtrunc.f32 v10;
	v10 =	vmul.f32 v13, v4  }
0x67: {  	vm1 =	vlt.s32 v5, $0x3F;
	[tilespmem:v16+s11+$0x0] =	vst.idx.add.s32.msk $0xffff, v1;
	v13 =	vtrunc.f32 v63;
	v17 =	vmul.f32 v17, v4  }
0x68: {  	s19 =	simm.s32 $0x8;
	s20 =	sadd.s32 $0x400, s31;
	v16 =	vmul.f32 v14, v4;
	[tilespmem:v62+s11+$0x0] =	vst.idx.add.s32.msk $0xffff, v1;
	v14 =	vtrunc.f32 v10;
	v10 =	vnsel vm5, $0x3F, v19  }
.LBB2_5:
0x69: {  	v19 =	vld [tilespmem:s20+$0x30];
	s19 =	sadd.s32 $0x8, s19;
	v15 =	vtrunc.f32 v15;
	v17 =	vtrunc.f32 v17;
	v20 =	vnsel vm3, $0x3F, v8  }
0x6a: {  	v16 =	vtrunc.f32 v16;
	v21 =	vld [tilespmem:s20+$0xFFFFFFD0];
	p0 =	slt.u32 s19, $0x38;
	v8 =	vtrunc.f32 v18;
	v18 =	vnsel vm2, $0x3F, v7  }
0x6b: {  	v23 =	vcvt.f32.s32 v11;
	v24 =	vnsel vm0, $0x3F, v6;
	v22 =	vcvt.f32.s32 v8;
	[tilespmem:v12+s11+$0x0] =	vst.idx.add.s32.msk $0xffff, v1  }
0x6c: {  	v25 =	vcvt.f32.s32 v13;
	v26 =	vnsel vm1, $0x3F, v5;
	v8 =	vcvt.f32.s32 v14;
	v11 =	vld [tilespmem:s20+$0xFFFFFFE0]  }
0x6d: {  	v7 =	vcvt.f32.s32 v15;
	v6 =	vcvt.f32.s32 v17;
	v12 =	vld [tilespmem:s20+$0xFFFFFFF0];
	vm6 =	vlt.s32 v22, $0x3F  }
0x6e: {  	v5 =	vcvt.f32.s32 v16;
	vm4 =	vlt.s32 v23, $0x3F;
	v13 =	vld [tilespmem:s20+$0x0];
	v14 =	vsub.f32 v19, v3  }
0x6f: {  	vm5 =	vlt.s32 v25, $0x3F;
	vm3 =	vlt.s32 v8, $0x3F;
	v15 =	vsub.f32 v21, v3;
	v16 =	vld [tilespmem:s20+$0x10]  }
0x70: {  	vm2 =	vlt.s32 v7, $0x3F;
	vm0 =	vlt.s32 v6, $0x3F;
	v17 =	vld [tilespmem:s20+$0x20];
	v14 =	vmul.f32 v14, v4  }
0x71: {  	vm1 =	vlt.s32 v5, $0x3F;
	v19 =	vld [tilespmem:s20+$0xFFFFFFC0];
	v15 =	vmul.f32 v15, v4;
	v11 =	vsub.f32 v11, v3  }
0x72: {  	v21 =	vnsel vm6, $0x3F, v22;
	v12 =	vsub.f32 v12, v3;
	v14 =	vtrunc.f32 v14;
	[tilespmem:v9+s11+$0x0] =	vst.idx.add.s32.msk $0xffff, v1  }
0x73: {  	v9 =	vmul.f32 v11, v4;
	v13 =	vsub.f32 v13, v3;
	v14 =	vcvt.f32.s32 v14;
	[tilespmem:v10+s11+$0x0] =	vst.idx.add.s32.msk $0xffff, v1  }
.Ltmp1:
0x74: {  	v11 =	vtrunc.f32 v15;
	v10 =	vmul.f32 v12, v4;
	v12 =	vsub.f32 v16, v3;
	[tilespmem:v20+s11+$0x0] =	vst.idx.add.s32.msk $0xffff, v1;
	(pc) =	sbr.rel @p0 .LBB2_5-.Ltmp1, $4  }
0x75: {  	v15 =	vmul.f32 v13, v4;
	v16 =	vsub.f32 v17, v3;
	vm6 =	vlt.s32 v14, $0x3F;
	[tilespmem:v18+s11+$0x0] =	vst.idx.add.s32.msk $0xffff, v1  }
0x76: {  	v18 =	vsub.f32 v19, v3;
	v17 =	vmul.f32 v12, v4;
	v12 =	vnsel vm6, $0x3F, v14;
	[tilespmem:v24+s11+$0x0] =	vst.idx.add.s32.msk $0xffff, v1  }
0x77: {  	v13 =	vtrunc.f32 v9;
	v9 =	vnsel vm4, $0x3F, v23;
	v16 =	vmul.f32 v16, v4;
	[tilespmem:v21+s11+$0x0] =	vst.idx.add.s32.msk $0xffff, v1  }
0x78: {  	s20 =	sadd.s32 $0x400, s20;
	v14 =	vtrunc.f32 v10;
	v10 =	vnsel vm5, $0x3F, v25;
	v18 =	vmul.f32 v18, v4;
	[tilespmem:v26+s11+$0x0] =	vst.idx.add.s32.msk $0xffff, v1  }
0x79: {  	_ =	sdelay $0x1  }
0x7a: {  	v4 =	vnsel vm3, $0x3F, v8;
	v50 =	vtrunc.f32 v15;
	v51 =	vtrunc.f32 v17  }
0x7b: {  	v7 =	vnsel vm2, $0x3F, v7;
	v11 =	vcvt.f32.s32 v11;
	v3 =	vtrunc.f32 v18  }
0x7c: {  	[tilespmem:v12+s11+$0x0] =	vst.idx.add.s32.msk $0xffff, v1;
	v6 =	vnsel vm0, $0x3F, v6;
	v52 =	vtrunc.f32 v16;
	v3 =	vcvt.f32.s32 v3  }
0x7d: {  	v13 =	vcvt.f32.s32 v13;
	[tilespmem:v9+s11+$0x0] =	vst.idx.add.s32.msk $0xffff, v1;
	v5 =	vnsel vm1, $0x3F, v5;
	vm10 =	vlt.s32 v11, $0x3F  }
0x7e: {  	v53 =	vcvt.f32.s32 v14;
	[tilespmem:v10+s11+$0x0] =	vst.idx.add.s32.msk $0xffff, v1;
	v54 =	vnsel vm10, $0x3F, v11;
	vm9 =	vlt.s32 v3, $0x3F  }
0x7f: {  	v55 =	vcvt.f32.s32 v51;
	vm11 =	vlt.s32 v13, $0x3F;
	v3 =	vnsel vm9, $0x3F, v3;
	[tilespmem:v4+s11+$0x0] =	vst.idx.add.s32.msk $0xffff, v1  }
0x80: {  	v57 =	vcvt.f32.s32 v52;
	vm12 =	vlt.s32 v53, $0x3F;
	v56 =	vnsel vm11, $0x3F, v13;
	[tilespmem:v7+s11+$0x0] =	vst.idx.add.s32.msk $0xffff, v1  }
0x81: {  	v8 =	vcvt.f32.s32 v50;
	v58 =	vnsel vm12, $0x3F, v53;
	vm14 =	vlt.s32 v55, $0x3F;
	[tilespmem:v6+s11+$0x0] =	vst.idx.add.s32.msk $0xffff, v1  }
0x82: {  	vm15 =	vlt.s32 v57, $0x3F;
	v59 =	vnsel vm14, $0x3F, v55;
	[tilespmem:v5+s11+$0x0] =	vst.idx.add.s32.msk $0xffff, v1  }
0x83: {  	vm13 =	vlt.s32 v8, $0x3F;
	v60 =	vnsel vm15, $0x3F, v57;
	[tilespmem:v54+s11+$0x0] =	vst.idx.add.s32.msk $0xffff, v1  }
0x84: {  	[tilespmem:v3+s11+$0x0] =	vst.idx.add.s32.msk $0xffff, v1;
	v3 =	vnsel vm13, $0x3F, v8  }
0x85: {  	[tilespmem:v56+s11+$0x0] =	vst.idx.add.s32.msk $0xffff, v1  }
0x86: {  	[tilespmem:v58+s11+$0x0] =	vst.idx.add.s32.msk $0xffff, v1  }
0x87: {  	[tilespmem:v59+s11+$0x0] =	vst.idx.add.s32.msk $0xffff, v1  }
0x88: {  	[tilespmem:v60+s11+$0x0] =	vst.idx.add.s32.msk $0xffff, v1  }
0x89: {  	[tilespmem:v3+s11+$0x0] =	vst.idx.add.s32.msk $0xffff, v1  }
0x8a: {  	v3 =	vld [tilespmem:$0x10000];
	_ =	sdelay $0x1  }
0x8b: {  	v4 =	vld [tilespmem:$0x10010];
	_ =	sdelay $0x1  }
0x8c: {  	v5 =	vld [tilespmem:$0x10020]  }
0x8d: {  	v6 =	vld [tilespmem:$0x10030];
	v3 =	vcvt.s32.f32 v3;
	_ =	sdelay $0x1  }
0x8e: {  	v4 =	vcvt.s32.f32 v4;
	v3 =	vadd.f32 $-6.400000000e+01, v3;
	_ =	sdelay $0x1  }
0x8f: {  	v5 =	vcvt.s32.f32 v5;
	v4 =	vadd.f32 $-6.400000000e+01, v4;
	v3 =	vmul.f32 v3, v3  }
0x90: {  	v62 =	vcvt.s32.f32 v6  }
0x91: {  	s18 =	sadd.s32 $0x1, s18;
	v61 =	vadd.f32 $-6.400000000e+01, v5;
	v2 =	vadd.f32 v3, v2;
	v3 =	vmul.f32 v4, v4  }
0x92: {  	p0 =	sne.s32 s18, $0x20  }
.Ltmp2:
0x93: {  	v63 =	vadd.f32 $-6.400000000e+01, v62;
	v2 =	vadd.f32 v3, v2;
	v3 =	vmul.f32 v61, v61;
	(pc) =	sbr.rel @p0 .LBB2_2-.Ltmp2, $4  }
0x94: {  	[tilespmem:$0x10000] =	vst v0  }
0x95: {  	[tilespmem:$0x10010] =	vst v0;
	v2 =	vadd.f32 v3, v2;
	v3 =	vmul.f32 v63, v63  }
0x96: {  	[tilespmem:$0x10020] =	vst v0  }
0x97: {  	s17 =	sadd.s32 $0x400, s17;
	s16 =	sadd.s32 $0x1, s16;
	[tilespmem:$0x10030] =	vst v0;
	v2 =	vadd.f32 v3, v2  }
0x98: {  	s16 =	simm.s32 $0x0  }
0x99: {  	[tilespmem:s16], [sflag:$0x1] =	stream.linear.gather [hbm4b:s5+s16], $0x8000, $0x38;
	[tilespmem:$0x10100] =	vst v63  }
0x9a: {  	_ =	swait.ge [sflag:s12], $0x8000  }
0x9b: {  	[sflag:s12] =	ssyncset.done $0x0  }
0x9c: {  	s17 =	simm.s32 $0x0;
	s18 =	simm.s32 $0x0;
	[sflag:s12] =	ssyncadd.s32 $0xFFFF8000  }
.LBB2_8:
0x9d: {  	s19 =	sshll.u32 s17, $0x2;
	s20 =	sand.u32 $0x7, s16  }
0x9e: {  	s19 =	sand.u32 $0xFFFF8000, s19;
	s20 =	sshll.u32 s20, $0x9  }
0x9f: {  	s19 =	sor.u32 s20, s19  }
0xa0: {  	s19 =	sshrl.u32 s19, $0x2  }
0xa1: {  	s19 =	sadd.s32 $0x8040, s19  }
0xa2: {  	v4 =	vmov s19;
	_ =	sdelay $0x3  }
0xa3: {  	s22 =	simm.s32 $0x0  }
0xa4: {  	v3 =	vld.idx.msk [tilespmem:v4+s22+$0x30 ss:$0x1], $0xffff  }
0xa5: {  	v7 =	vld.idx.msk [tilespmem:v4+s22+$0xFFFFFFC0 ss:$0x1], $0xffff  }
0xa6: {  	v8 =	vimm.f32 $+Inf;
	v15 =	vld.idx.msk [tilespmem:v4+s22+$0xFFFFFFD0 ss:$0x1], $0xffff  }
0xa7: {  	v9 =	vimm.f32 $-Inf;
	v12 =	vimm.f32 $+Inf;
	v16 =	vimm.f32 $-Inf;
	v10 =	vld.idx.msk [tilespmem:v4+s22+$0xFFFFFFE0 ss:$0x1], $0xffff  }
0xa8: {  	v17 =	vimm.f32 $+Inf;
	v13 =	vimm.f32 $-Inf;
	v18 =	vimm.f32 $+Inf;
	v11 =	vld.idx.msk [tilespmem:v4+s22+$0xFFFFFFF0 ss:$0x1], $0xffff  }
0xa9: {  	v20 =	vimm.f32 $-Inf;
	v14 =	vimm.f32 $+Inf;
	v22 =	vimm.f32 $-Inf;
	v19 =	vld.idx.msk [tilespmem:v4+s22+$0x0 ss:$0x1], $0xffff  }
0xaa: {  	v23 =	vimm.f32 $+Inf;
	v24 =	vimm.f32 $-Inf;
	v21 =	vld.idx.msk [tilespmem:v4+s22+$0x10 ss:$0x1], $0xffff;
	v5 =	vmin.f32 v8, v3  }
0xab: {  	s21 =	simm.s32 $0x2000;
	s20 =	simm.s32 $0x400;
	v25 =	vld.idx.msk [tilespmem:v4+s22+$0x20 ss:$0x1], $0xffff;
	v3 =	vmax.f32 v9, v3;
	v6 =	vmin.f32 v8, v7;
	v7 =	vmax.f32 v9, v7  }
.LBB2_9:
0xac: {  	p0 =	sne.s32 s21, $0x7000;
	v26 =	vld.idx.msk [tilespmem:v4+s20+$0x30 ss:$0x1], $0xffff;
	v8 =	vmin.f32 v8, v15;
	v9 =	vmax.f32 v9, v15  }
0xad: {  	v12 =	vmin.f32 v12, v10;
	v16 =	vmax.f32 v16, v10;
	v27 =	vld.idx.msk [tilespmem:v4+s20+$0xFFFFFFC0 ss:$0x1], $0xffff  }
0xae: {  	v17 =	vmin.f32 v17, v11;
	v13 =	vmax.f32 v13, v11;
	v15 =	vld.idx.msk [tilespmem:v4+s20+$0xFFFFFFD0 ss:$0x1], $0xffff  }
.Ltmp3:
0xaf: {  	v18 =	vmin.f32 v18, v19;
	v20 =	vmax.f32 v20, v19;
	v10 =	vld.idx.msk [tilespmem:v4+s20+$0xFFFFFFE0 ss:$0x1], $0xffff;
	(pc) =	sbr.rel @p0 .LBB2_9-.Ltmp3, $4  }
0xb0: {  	v14 =	vmin.f32 v14, v21;
	v22 =	vmax.f32 v22, v21;
	v11 =	vld.idx.msk [tilespmem:v4+s20+$0xFFFFFFF0 ss:$0x1], $0xffff  }
0xb1: {  	v23 =	vmin.f32 v23, v25;
	v24 =	vmax.f32 v24, v25;
	v19 =	vld.idx.msk [tilespmem:v4+s20+$0x0 ss:$0x1], $0xffff  }
0xb2: {  	v5 =	vmin.f32 v5, v26;
	v3 =	vmax.f32 v3, v26;
	v21 =	vld.idx.msk [tilespmem:v4+s20+$0x10 ss:$0x1], $0xffff  }
0xb3: {  	v6 =	vmin.f32 v6, v27;
	v7 =	vmax.f32 v7, v27;
	v25 =	vld.idx.msk [tilespmem:v4+s20+$0x20 ss:$0x1], $0xffff;
	s20 =	sshra.s32 s21, $0x2;
	s21 =	sadd.s32 $0x1000, s21  }
0xb4: {  	_ =	sdelay $0x3  }
0xb5: {  	v26 =	vld.idx.msk [tilespmem:v4+s20+$0x30 ss:$0x1], $0xffff  }
0xb6: {  	v27 =	vld.idx.msk [tilespmem:v4+s20+$0xFFFFFFC0 ss:$0x1], $0xffff  }
0xb7: {  	v28 =	vld.idx.msk [tilespmem:v4+s20+$0xFFFFFFD0 ss:$0x1], $0xffff  }
0xb8: {  	v8 =	vmin.f32 v8, v15;
	v9 =	vmax.f32 v9, v15;
	v15 =	vld.idx.msk [tilespmem:v4+s20+$0xFFFFFFE0 ss:$0x1], $0xffff  }
0xb9: {  	v12 =	vmin.f32 v12, v10;
	v10 =	vmax.f32 v16, v10;
	v16 =	vmin.f32 v17, v11;
	v17 =	vld.idx.msk [tilespmem:v4+s20+$0xFFFFFFF0 ss:$0x1], $0xffff  }
0xba: {  	v61 =	vld.idx.msk [tilespmem:v4+s20+$0x10 ss:$0x1], $0xffff;
	v11 =	vmax.f32 v13, v11;
	v13 =	vmin.f32 v18, v19;
	v18 =	vmax.f32 v20, v19  }
0xbb: {  	v19 =	vld.idx.msk [tilespmem:v4+s20+$0x0 ss:$0x1], $0xffff;
	v14 =	vmin.f32 v14, v21;
	v20 =	vmax.f32 v22, v21;
	v59 =	vmin.f32 v23, v25  }
0xbc: {  	v60 =	vmax.f32 v24, v25;
	v5 =	vmin.f32 v5, v26;
	v6 =	vmin.f32 v6, v27  }
0xbd: {  	v7 =	vmax.f32 v7, v27;
	v8 =	vmin.f32 v8, v28;
	v9 =	vmax.f32 v9, v28  }
0xbe: {  	v4 =	vld.idx.msk [tilespmem:v4+s20+$0x20 ss:$0x1], $0xffff;
	v12 =	vmin.f32 v12, v15;
	v10 =	vmax.f32 v10, v15;
	v15 =	vmin.f32 v16, v17  }
0xbf: {  	v11 =	vmax.f32 v11, v17;
	v6 =	vmin.f32 v6, v8;
	v7 =	vmax.f32 v7, v9  }
0xc0: {  	v9 =	vmin.f32 v14, v61;
	v13 =	vmin.f32 v13, v19;
	v6 =	vmin.f32 v6, v12  }
0xc1: {  	v8 =	vmax.f32 v18, v19;
	v7 =	vmax.f32 v7, v10;
	v6 =	vmin.f32 v6, v15  }
0xc2: {  	v10 =	vmax.f32 v20, v61;
	v7 =	vmax.f32 v7, v11;
	v6 =	vmin.f32 v6, v13  }
0xc3: {  	v11 =	vmin.f32 v59, v4;
	v7 =	vmax.f32 v7, v8;
	v6 =	vmin.f32 v6, v9  }
0xc4: {  	v4 =	vmax.f32 v60, v4;
	v7 =	vmax.f32 v7, v10;
	v6 =	vmin.f32 v6, v11  }
0xc5: {  	v3 =	vmax.f32 v3, v26;
	v4 =	vmax.f32 v7, v4;
	v5 =	vmin.f32 v6, v5  }
0xc6: {  	v3 =	vmax.f32 v4, v3;
	(xrf0) =	vmin.scan.msk.f32 $0xffff, v5  }
0xc7: {  	(xrf0) =	vmax.scan.msk.f32 $0xffff, v3;
	_ =	sdelay $0x4  }
0xc8: {  	v3, _, _ =	vpop (xrf0)  }
0xc9: {  	(v2sf) =	vpush v3, $0xF;
	v4, _, _ =	vpop (xrf0)  }
0xca: {  	(v2sf) =	vpush v4, $0xF;
	_ =	sdelay $0xd  }
0xcb: {  	s30 =	spop (v2sf)  }
0xcc: {  	s21 =	spop (v2sf)  }
0xcd: {  	s20 =	ssub.f32 s21, s30;
	_ =	sdelay $0x1  }
0xce: {  	s20 =	smul.f32 $1.562500000e-02, s20;
	_ =	sdelay $0x1  }
0xcf: {  	v8 =	vld [tilespmem:s19+$0xFFFFFFF0];
	v4 =	vmov s20  }
0xd0: {  	v9 =	vld [tilespmem:s19+$0x0];
	(erf) = vrcp.f32 v4  }
0xd1: {  	v7 =	vld [tilespmem:s19+$0xFFFFFFE0]  }
0xd2: {  	v5 =	vld [tilespmem:s19+$0x30]  }
0xd3: {  	v6 =	vld [tilespmem:s19+$0xFFFFFFD0]  }
0xd4: {  	v10 =	vld [tilespmem:s19+$0x10]  }
0xd5: {  	v11 =	vld [tilespmem:s19+$0x20];
	v3 =	vbroadcast v3, $0xF  }
0xd6: {  	s31 =	sadd.s32 $0x400, s19;
	v12 =	vld [tilespmem:s19+$0xFFFFFFC0]  }
0xd7: {  	v13 =	vld [tilespmem:s31+$0x30];
	v5 =	vsub.f32 v5, v3  }
0xd8: {  	v15 =	vld [tilespmem:s31+$0xFFFFFFE0];
	v6 =	vsub.f32 v6, v3;
	v7 =	vsub.f32 v7, v3  }
0xd9: {  	v8 =	vsub.f32 v8, v3;
	v9 =	vsub.f32 v9, v3;
	vm0 =	vgt.f32 v4, $0.0e+00;
	v4 =	vpop (erf)  }
0xda: {  	v10 =	vsub.f32 v10, v3;
	v11 =	vsub.f32 v11, v3;
	v4 =	vnsel vm0, $0x0, v4  }
0xdb: {  	v12 =	vsub.f32 v12, v3;
	v5 =	vmul.f32 v5, v4;
	v6 =	vmul.f32 v6, v4  }
0xdc: {  	v13 =	vsub.f32 v13, v3;
	v7 =	vmul.f32 v7, v4;
	v8 =	vmul.f32 v8, v4  }
0xdd: {  	v15 =	vsub.f32 v15, v3;
	v9 =	vmul.f32 v9, v4;
	v10 =	vmul.f32 v10, v4  }
0xde: {  	v11 =	vmul.f32 v11, v4;
	v12 =	vmul.f32 v12, v4  }
0xdf: {  	v13 =	vmul.f32 v13, v4;
	v63 =	vmul.f32 v15, v4  }
0xe0: {  	v5 =	vtrunc.f32 v5;
	v6 =	vtrunc.f32 v6  }
0xe1: {  	v7 =	vtrunc.f32 v7;
	v8 =	vtrunc.f32 v8  }
0xe2: {  	v20 =	vld [tilespmem:s31+$0xFFFFFFC0];
	v9 =	vtrunc.f32 v9;
	v10 =	vtrunc.f32 v10  }
0xe3: {  	v14 =	vld [tilespmem:s31+$0xFFFFFFD0];
	v12 =	vtrunc.f32 v12;
	v11 =	vtrunc.f32 v11  }
0xe4: {  	v13 =	vtrunc.f32 v13;
	v5 =	vcvt.f32.s32 v5  }
0xe5: {  	v12 =	vcvt.f32.s32 v12;
	v18 =	vcvt.f32.s32 v6  }
0xe6: {  	v19 =	vcvt.f32.s32 v7;
	v7 =	vcvt.f32.s32 v9;
	v9 =	vld [tilespmem:s31+$0x0]  }
0xe7: {  	v20 =	vsub.f32 v20, v3;
	v8 =	vcvt.f32.s32 v8;
	v6 =	vcvt.f32.s32 v10  }
0xe8: {  	v17 =	vld [tilespmem:s31+$0xFFFFFFF0];
	v10 =	vsub.f32 v14, v3;
	v13 =	vcvt.f32.s32 v13;
	vm0 =	vlt.s32 v5, $0x3F  }
0xe9: {  	vm1 =	vlt.s32 v12, $0x3F;
	v16 =	vnsel vm0, $0x3F, v5;
	v5 =	vcvt.f32.s32 v11;
	v11 =	vld [tilespmem:s31+$0x10]  }
0xea: {  	v14 =	vld [tilespmem:s31+$0x20];
	vm4 =	vlt.s32 v18, $0x3F;
	vm5 =	vlt.s32 v19, $0x3F;
	vm3 =	vlt.s32 v8, $0x3F  }
0xeb: {  	vm2 =	vlt.s32 v7, $0x3F;
	v10 =	vmul.f32 v10, v4;
	v9 =	vsub.f32 v9, v3  }
0xec: {  	vm0 =	vlt.s32 v6, $0x3F;
	v62 =	vnsel vm1, $0x3F, v12;
	vm1 =	vlt.s32 v13, $0x3F  }
0xed: {  	v12 =	vnsel vm1, $0x3F, v13;
	v13 =	vsub.f32 v17, v3;
	v15 =	vmul.f32 v9, v4  }
0xee: {  	v9 =	vnsel vm4, $0x3F, v18;
	v18 =	vmul.f32 v20, v4;
	v17 =	vsub.f32 v11, v3  }
0xef: {  	v14 =	vsub.f32 v14, v3;
	v11 =	vtrunc.f32 v10;
	v10 =	vmul.f32 v13, v4  }
0xf0: {  	vm1 =	vlt.s32 v5, $0x3F;
	[tilespmem:v16+s11+$0x0] =	vst.idx.add.s32.msk $0xffff, v1;
	v13 =	vtrunc.f32 v63;
	v17 =	vmul.f32 v17, v4  }
0xf1: {  	s19 =	simm.s32 $0x8;
	s20 =	sadd.s32 $0x400, s31;
	v16 =	vmul.f32 v14, v4;
	[tilespmem:v62+s11+$0x0] =	vst.idx.add.s32.msk $0xffff, v1;
	v14 =	vtrunc.f32 v10;
	v10 =	vnsel vm5, $0x3F, v19  }
.LBB2_11:
0xf2: {  	v19 =	vld [tilespmem:s20+$0x30];
	s19 =	sadd.s32 $0x8, s19;
	v15 =	vtrunc.f32 v15;
	v17 =	vtrunc.f32 v17;
	v20 =	vnsel vm3, $0x3F, v8  }
0xf3: {  	v16 =	vtrunc.f32 v16;
	v21 =	vld [tilespmem:s20+$0xFFFFFFD0];
	p0 =	slt.u32 s19, $0x38;
	v8 =	vtrunc.f32 v18;
	v18 =	vnsel vm2, $0x3F, v7  }
0xf4: {  	v23 =	vcvt.f32.s32 v11;
	v24 =	vnsel vm0, $0x3F, v6;
	v22 =	vcvt.f32.s32 v8;
	[tilespmem:v12+s11+$0x0] =	vst.idx.add.s32.msk $0xffff, v1  }
0xf5: {  	v25 =	vcvt.f32.s32 v13;
	v26 =	vnsel vm1, $0x3F, v5;
	v8 =	vcvt.f32.s32 v14;
	v11 =	vld [tilespmem:s20+$0xFFFFFFE0]  }
0xf6: {  	v7 =	vcvt.f32.s32 v15;
	v6 =	vcvt.f32.s32 v17;
	v12 =	vld [tilespmem:s20+$0xFFFFFFF0];
	vm6 =	vlt.s32 v22, $0x3F  }
0xf7: {  	v5 =	vcvt.f32.s32 v16;
	vm4 =	vlt.s32 v23, $0x3F;
	v13 =	vld [tilespmem:s20+$0x0];
	v14 =	vsub.f32 v19, v3  }
0xf8: {  	vm5 =	vlt.s32 v25, $0x3F;
	vm3 =	vlt.s32 v8, $0x3F;
	v15 =	vsub.f32 v21, v3;
	v16 =	vld [tilespmem:s20+$0x10]  }
0xf9: {  	vm2 =	vlt.s32 v7, $0x3F;
	vm0 =	vlt.s32 v6, $0x3F;
	v17 =	vld [tilespmem:s20+$0x20];
	v14 =	vmul.f32 v14, v4  }
0xfa: {  	vm1 =	vlt.s32 v5, $0x3F;
	v19 =	vld [tilespmem:s20+$0xFFFFFFC0];
	v15 =	vmul.f32 v15, v4;
	v11 =	vsub.f32 v11, v3  }
0xfb: {  	v21 =	vnsel vm6, $0x3F, v22;
	v12 =	vsub.f32 v12, v3;
	v14 =	vtrunc.f32 v14;
	[tilespmem:v9+s11+$0x0] =	vst.idx.add.s32.msk $0xffff, v1  }
0xfc: {  	v9 =	vmul.f32 v11, v4;
	v13 =	vsub.f32 v13, v3;
	v14 =	vcvt.f32.s32 v14;
	[tilespmem:v10+s11+$0x0] =	vst.idx.add.s32.msk $0xffff, v1  }
.Ltmp4:
0xfd: {  	v11 =	vtrunc.f32 v15;
	v10 =	vmul.f32 v12, v4;
	v12 =	vsub.f32 v16, v3;
	[tilespmem:v20+s11+$0x0] =	vst.idx.add.s32.msk $0xffff, v1;
	(pc) =	sbr.rel @p0 .LBB2_11-.Ltmp4, $4  }
0xfe: {  	v15 =	vmul.f32 v13, v4;
	v16 =	vsub.f32 v17, v3;
	vm6 =	vlt.s32 v14, $0x3F;
	[tilespmem:v18+s11+$0x0] =	vst.idx.add.s32.msk $0xffff, v1  }
0xff: {  	v18 =	vsub.f32 v19, v3;
	v17 =	vmul.f32 v12, v4;
	v12 =	vnsel vm6, $0x3F, v14;
	[tilespmem:v24+s11+$0x0] =	vst.idx.add.s32.msk $0xffff, v1  }
0x100: {  	v13 =	vtrunc.f32 v9;
	v9 =	vnsel vm4, $0x3F, v23;
	v16 =	vmul.f32 v16, v4;
	[tilespmem:v21+s11+$0x0] =	vst.idx.add.s32.msk $0xffff, v1  }
0x101: {  	s20 =	sadd.s32 $0x400, s20;
	v14 =	vtrunc.f32 v10;
	v10 =	vnsel vm5, $0x3F, v25;
	v18 =	vmul.f32 v18, v4;
	[tilespmem:v26+s11+$0x0] =	vst.idx.add.s32.msk $0xffff, v1  }
0x102: {  	_ =	sdelay $0x1  }
0x103: {  	v4 =	vnsel vm3, $0x3F, v8;
	v50 =	vtrunc.f32 v15;
	v51 =	vtrunc.f32 v17  }
0x104: {  	v7 =	vnsel vm2, $0x3F, v7;
	v11 =	vcvt.f32.s32 v11;
	v3 =	vtrunc.f32 v18  }
0x105: {  	[tilespmem:v12+s11+$0x0] =	vst.idx.add.s32.msk $0xffff, v1;
	v6 =	vnsel vm0, $0x3F, v6;
	v52 =	vtrunc.f32 v16;
	v3 =	vcvt.f32.s32 v3  }
0x106: {  	v13 =	vcvt.f32.s32 v13;
	[tilespmem:v9+s11+$0x0] =	vst.idx.add.s32.msk $0xffff, v1;
	v5 =	vnsel vm1, $0x3F, v5;
	vm10 =	vlt.s32 v11, $0x3F  }
0x107: {  	v53 =	vcvt.f32.s32 v14;
	[tilespmem:v10+s11+$0x0] =	vst.idx.add.s32.msk $0xffff, v1;
	v54 =	vnsel vm10, $0x3F, v11;
	vm9 =	vlt.s32 v3, $0x3F  }
0x108: {  	v55 =	vcvt.f32.s32 v51;
	vm11 =	vlt.s32 v13, $0x3F;
	v3 =	vnsel vm9, $0x3F, v3;
	[tilespmem:v4+s11+$0x0] =	vst.idx.add.s32.msk $0xffff, v1  }
0x109: {  	v57 =	vcvt.f32.s32 v52;
	vm12 =	vlt.s32 v53, $0x3F;
	v56 =	vnsel vm11, $0x3F, v13;
	[tilespmem:v7+s11+$0x0] =	vst.idx.add.s32.msk $0xffff, v1  }
0x10a: {  	v8 =	vcvt.f32.s32 v50;
	v58 =	vnsel vm12, $0x3F, v53;
	vm14 =	vlt.s32 v55, $0x3F;
	[tilespmem:v6+s11+$0x0] =	vst.idx.add.s32.msk $0xffff, v1  }
0x10b: {  	vm15 =	vlt.s32 v57, $0x3F;
	v59 =	vnsel vm14, $0x3F, v55;
	[tilespmem:v5+s11+$0x0] =	vst.idx.add.s32.msk $0xffff, v1  }
0x10c: {  	vm13 =	vlt.s32 v8, $0x3F;
	v60 =	vnsel vm15, $0x3F, v57;
	[tilespmem:v54+s11+$0x0] =	vst.idx.add.s32.msk $0xffff, v1  }
0x10d: {  	[tilespmem:v3+s11+$0x0] =	vst.idx.add.s32.msk $0xffff, v1;
	v3 =	vnsel vm13, $0x3F, v8  }
0x10e: {  	[tilespmem:v56+s11+$0x0] =	vst.idx.add.s32.msk $0xffff, v1  }
0x10f: {  	[tilespmem:v58+s11+$0x0] =	vst.idx.add.s32.msk $0xffff, v1  }
0x110: {  	[tilespmem:v59+s11+$0x0] =	vst.idx.add.s32.msk $0xffff, v1  }
0x111: {  	[tilespmem:v60+s11+$0x0] =	vst.idx.add.s32.msk $0xffff, v1  }
0x112: {  	[tilespmem:v3+s11+$0x0] =	vst.idx.add.s32.msk $0xffff, v1  }
0x113: {  	v3 =	vld [tilespmem:$0x10000];
	_ =	sdelay $0x1  }
0x114: {  	v4 =	vld [tilespmem:$0x10010];
	_ =	sdelay $0x1  }
0x115: {  	v5 =	vld [tilespmem:$0x10020]  }
0x116: {  	v6 =	vld [tilespmem:$0x10030];
	v3 =	vcvt.s32.f32 v3;
	_ =	sdelay $0x1  }
0x117: {  	v4 =	vcvt.s32.f32 v4;
	v3 =	vadd.f32 $-6.400000000e+01, v3;
	_ =	sdelay $0x1  }
0x118: {  	v5 =	vcvt.s32.f32 v5;
	v4 =	vadd.f32 $-6.400000000e+01, v4;
	v3 =	vmul.f32 v3, v3  }
0x119: {  	v62 =	vcvt.s32.f32 v6  }
0x11a: {  	s18 =	sadd.s32 $0x1, s18;
	v61 =	vadd.f32 $-6.400000000e+01, v5;
	v2 =	vadd.f32 v3, v2;
	v3 =	vmul.f32 v4, v4  }
0x11b: {  	p0 =	sne.s32 s18, $0x20  }
.Ltmp5:
0x11c: {  	v63 =	vadd.f32 $-6.400000000e+01, v62;
	v2 =	vadd.f32 v3, v2;
	v3 =	vmul.f32 v61, v61;
	(pc) =	sbr.rel @p0 .LBB2_8-.Ltmp5, $4  }
0x11d: {  	[tilespmem:$0x10000] =	vst v0  }
0x11e: {  	[tilespmem:$0x10010] =	vst v0;
	v2 =	vadd.f32 v3, v2;
	v3 =	vmul.f32 v63, v63  }
0x11f: {  	[tilespmem:$0x10020] =	vst v0  }
0x120: {  	s17 =	sadd.s32 $0x400, s17;
	s16 =	sadd.s32 $0x1, s16;
	[tilespmem:$0x10030] =	vst v0;
	v2 =	vadd.f32 v3, v2  }
0x121: {  	s16 =	simm.s32 $0x0  }
0x122: {  	[tilespmem:s9], [sflag:$0x2] =	stream.linear.gather [hbm4b:s6+s16], $0x8000, $0x38;
	[tilespmem:$0x10100] =	vst v63  }
0x123: {  	_ =	swait.ge [sflag:s10], $0x8000  }
0x124: {  	[sflag:s10] =	ssyncset.done $0x0  }
0x125: {  	s17 =	simm.s32 $0x0;
	s18 =	simm.s32 $0x0;
	[sflag:s10] =	ssyncadd.s32 $0xFFFF8000  }
.LBB2_14:
0x126: {  	s19 =	sshll.u32 s17, $0x2;
	s20 =	sand.u32 $0x7, s16  }
0x127: {  	s19 =	sand.u32 $0xFFFF8000, s19;
	s20 =	sshll.u32 s20, $0x9  }
0x128: {  	s19 =	sor.u32 s20, s19  }
0x129: {  	s19 =	sshrl.u32 s19, $0x2  }
0x12a: {  	s19 =	sor.u32 $0x40, s19  }
0x12b: {  	v4 =	vmov s19;
	_ =	sdelay $0x3  }
0x12c: {  	s22 =	simm.s32 $0x0  }
0x12d: {  	v3 =	vld.idx.msk [tilespmem:v4+s22+$0x30 ss:$0x1], $0xffff  }
0x12e: {  	v7 =	vld.idx.msk [tilespmem:v4+s22+$0xFFFFFFC0 ss:$0x1], $0xffff  }
0x12f: {  	v8 =	vimm.f32 $+Inf;
	v15 =	vld.idx.msk [tilespmem:v4+s22+$0xFFFFFFD0 ss:$0x1], $0xffff  }
0x130: {  	v9 =	vimm.f32 $-Inf;
	v12 =	vimm.f32 $+Inf;
	v16 =	vimm.f32 $-Inf;
	v10 =	vld.idx.msk [tilespmem:v4+s22+$0xFFFFFFE0 ss:$0x1], $0xffff  }
0x131: {  	v17 =	vimm.f32 $+Inf;
	v13 =	vimm.f32 $-Inf;
	v18 =	vimm.f32 $+Inf;
	v11 =	vld.idx.msk [tilespmem:v4+s22+$0xFFFFFFF0 ss:$0x1], $0xffff  }
0x132: {  	v20 =	vimm.f32 $-Inf;
	v14 =	vimm.f32 $+Inf;
	v22 =	vimm.f32 $-Inf;
	v19 =	vld.idx.msk [tilespmem:v4+s22+$0x0 ss:$0x1], $0xffff  }
0x133: {  	v23 =	vimm.f32 $+Inf;
	v24 =	vimm.f32 $-Inf;
	v21 =	vld.idx.msk [tilespmem:v4+s22+$0x10 ss:$0x1], $0xffff;
	v5 =	vmin.f32 v8, v3  }
0x134: {  	s21 =	simm.s32 $0x2000;
	s20 =	simm.s32 $0x400;
	v25 =	vld.idx.msk [tilespmem:v4+s22+$0x20 ss:$0x1], $0xffff;
	v3 =	vmax.f32 v9, v3;
	v6 =	vmin.f32 v8, v7;
	v7 =	vmax.f32 v9, v7  }
.LBB2_15:
0x135: {  	p0 =	sne.s32 s21, $0x7000;
	v26 =	vld.idx.msk [tilespmem:v4+s20+$0x30 ss:$0x1], $0xffff;
	v8 =	vmin.f32 v8, v15;
	v9 =	vmax.f32 v9, v15  }
0x136: {  	v12 =	vmin.f32 v12, v10;
	v16 =	vmax.f32 v16, v10;
	v27 =	vld.idx.msk [tilespmem:v4+s20+$0xFFFFFFC0 ss:$0x1], $0xffff  }
0x137: {  	v17 =	vmin.f32 v17, v11;
	v13 =	vmax.f32 v13, v11;
	v15 =	vld.idx.msk [tilespmem:v4+s20+$0xFFFFFFD0 ss:$0x1], $0xffff  }
.Ltmp6:
0x138: {  	v18 =	vmin.f32 v18, v19;
	v20 =	vmax.f32 v20, v19;
	v10 =	vld.idx.msk [tilespmem:v4+s20+$0xFFFFFFE0 ss:$0x1], $0xffff;
	(pc) =	sbr.rel @p0 .LBB2_15-.Ltmp6, $4  }
0x139: {  	v14 =	vmin.f32 v14, v21;
	v22 =	vmax.f32 v22, v21;
	v11 =	vld.idx.msk [tilespmem:v4+s20+$0xFFFFFFF0 ss:$0x1], $0xffff  }
0x13a: {  	v23 =	vmin.f32 v23, v25;
	v24 =	vmax.f32 v24, v25;
	v19 =	vld.idx.msk [tilespmem:v4+s20+$0x0 ss:$0x1], $0xffff  }
0x13b: {  	v5 =	vmin.f32 v5, v26;
	v3 =	vmax.f32 v3, v26;
	v21 =	vld.idx.msk [tilespmem:v4+s20+$0x10 ss:$0x1], $0xffff  }
0x13c: {  	v6 =	vmin.f32 v6, v27;
	v7 =	vmax.f32 v7, v27;
	v25 =	vld.idx.msk [tilespmem:v4+s20+$0x20 ss:$0x1], $0xffff;
	s20 =	sshra.s32 s21, $0x2;
	s21 =	sadd.s32 $0x1000, s21  }
0x13d: {  	_ =	sdelay $0x3  }
0x13e: {  	v26 =	vld.idx.msk [tilespmem:v4+s20+$0x30 ss:$0x1], $0xffff  }
0x13f: {  	v27 =	vld.idx.msk [tilespmem:v4+s20+$0xFFFFFFC0 ss:$0x1], $0xffff  }
0x140: {  	v28 =	vld.idx.msk [tilespmem:v4+s20+$0xFFFFFFD0 ss:$0x1], $0xffff  }
0x141: {  	v8 =	vmin.f32 v8, v15;
	v9 =	vmax.f32 v9, v15;
	v15 =	vld.idx.msk [tilespmem:v4+s20+$0xFFFFFFE0 ss:$0x1], $0xffff  }
0x142: {  	v12 =	vmin.f32 v12, v10;
	v10 =	vmax.f32 v16, v10;
	v16 =	vmin.f32 v17, v11;
	v17 =	vld.idx.msk [tilespmem:v4+s20+$0xFFFFFFF0 ss:$0x1], $0xffff  }
0x143: {  	v61 =	vld.idx.msk [tilespmem:v4+s20+$0x10 ss:$0x1], $0xffff;
	v11 =	vmax.f32 v13, v11;
	v13 =	vmin.f32 v18, v19;
	v18 =	vmax.f32 v20, v19  }
0x144: {  	v19 =	vld.idx.msk [tilespmem:v4+s20+$0x0 ss:$0x1], $0xffff;
	v14 =	vmin.f32 v14, v21;
	v20 =	vmax.f32 v22, v21;
	v59 =	vmin.f32 v23, v25  }
0x145: {  	v60 =	vmax.f32 v24, v25;
	v5 =	vmin.f32 v5, v26;
	v6 =	vmin.f32 v6, v27  }
0x146: {  	v7 =	vmax.f32 v7, v27;
	v8 =	vmin.f32 v8, v28;
	v9 =	vmax.f32 v9, v28  }
0x147: {  	v4 =	vld.idx.msk [tilespmem:v4+s20+$0x20 ss:$0x1], $0xffff;
	v12 =	vmin.f32 v12, v15;
	v10 =	vmax.f32 v10, v15;
	v15 =	vmin.f32 v16, v17  }
0x148: {  	v11 =	vmax.f32 v11, v17;
	v6 =	vmin.f32 v6, v8;
	v7 =	vmax.f32 v7, v9  }
0x149: {  	v9 =	vmin.f32 v14, v61;
	v13 =	vmin.f32 v13, v19;
	v6 =	vmin.f32 v6, v12  }
0x14a: {  	v8 =	vmax.f32 v18, v19;
	v7 =	vmax.f32 v7, v10;
	v6 =	vmin.f32 v6, v15  }
0x14b: {  	v10 =	vmax.f32 v20, v61;
	v7 =	vmax.f32 v7, v11;
	v6 =	vmin.f32 v6, v13  }
0x14c: {  	v11 =	vmin.f32 v59, v4;
	v7 =	vmax.f32 v7, v8;
	v6 =	vmin.f32 v6, v9  }
0x14d: {  	v4 =	vmax.f32 v60, v4;
	v7 =	vmax.f32 v7, v10;
	v6 =	vmin.f32 v6, v11  }
0x14e: {  	v3 =	vmax.f32 v3, v26;
	v4 =	vmax.f32 v7, v4;
	v5 =	vmin.f32 v6, v5  }
0x14f: {  	v3 =	vmax.f32 v4, v3;
	(xrf0) =	vmin.scan.msk.f32 $0xffff, v5  }
0x150: {  	(xrf0) =	vmax.scan.msk.f32 $0xffff, v3;
	_ =	sdelay $0x4  }
0x151: {  	v3, _, _ =	vpop (xrf0)  }
0x152: {  	(v2sf) =	vpush v3, $0xF;
	v4, _, _ =	vpop (xrf0)  }
0x153: {  	(v2sf) =	vpush v4, $0xF;
	_ =	sdelay $0xd  }
0x154: {  	s30 =	spop (v2sf)  }
0x155: {  	s21 =	spop (v2sf)  }
0x156: {  	s20 =	ssub.f32 s21, s30;
	_ =	sdelay $0x1  }
0x157: {  	s20 =	smul.f32 $1.562500000e-02, s20;
	_ =	sdelay $0x1  }
0x158: {  	v8 =	vld [tilespmem:s19+$0xFFFFFFF0];
	v4 =	vmov s20  }
0x159: {  	v9 =	vld [tilespmem:s19+$0x0];
	(erf) = vrcp.f32 v4  }
0x15a: {  	v7 =	vld [tilespmem:s19+$0xFFFFFFE0]  }
0x15b: {  	v5 =	vld [tilespmem:s19+$0x30]  }
0x15c: {  	v6 =	vld [tilespmem:s19+$0xFFFFFFD0]  }
0x15d: {  	v10 =	vld [tilespmem:s19+$0x10]  }
0x15e: {  	v11 =	vld [tilespmem:s19+$0x20];
	v3 =	vbroadcast v3, $0xF  }
0x15f: {  	s31 =	sadd.s32 $0x400, s19;
	v12 =	vld [tilespmem:s19+$0xFFFFFFC0]  }
0x160: {  	v13 =	vld [tilespmem:s31+$0x30];
	v5 =	vsub.f32 v5, v3  }
0x161: {  	v15 =	vld [tilespmem:s31+$0xFFFFFFE0];
	v6 =	vsub.f32 v6, v3;
	v7 =	vsub.f32 v7, v3  }
0x162: {  	v8 =	vsub.f32 v8, v3;
	v9 =	vsub.f32 v9, v3;
	vm0 =	vgt.f32 v4, $0.0e+00;
	v4 =	vpop (erf)  }
0x163: {  	v10 =	vsub.f32 v10, v3;
	v11 =	vsub.f32 v11, v3;
	v4 =	vnsel vm0, $0x0, v4  }
0x164: {  	v12 =	vsub.f32 v12, v3;
	v5 =	vmul.f32 v5, v4;
	v6 =	vmul.f32 v6, v4  }
0x165: {  	v13 =	vsub.f32 v13, v3;
	v7 =	vmul.f32 v7, v4;
	v8 =	vmul.f32 v8, v4  }
0x166: {  	v15 =	vsub.f32 v15, v3;
	v9 =	vmul.f32 v9, v4;
	v10 =	vmul.f32 v10, v4  }
0x167: {  	v11 =	vmul.f32 v11, v4;
	v12 =	vmul.f32 v12, v4  }
0x168: {  	v13 =	vmul.f32 v13, v4;
	v63 =	vmul.f32 v15, v4  }
0x169: {  	v5 =	vtrunc.f32 v5;
	v6 =	vtrunc.f32 v6  }
0x16a: {  	v7 =	vtrunc.f32 v7;
	v8 =	vtrunc.f32 v8  }
0x16b: {  	v20 =	vld [tilespmem:s31+$0xFFFFFFC0];
	v9 =	vtrunc.f32 v9;
	v10 =	vtrunc.f32 v10  }
0x16c: {  	v14 =	vld [tilespmem:s31+$0xFFFFFFD0];
	v12 =	vtrunc.f32 v12;
	v11 =	vtrunc.f32 v11  }
0x16d: {  	v13 =	vtrunc.f32 v13;
	v5 =	vcvt.f32.s32 v5  }
0x16e: {  	v12 =	vcvt.f32.s32 v12;
	v18 =	vcvt.f32.s32 v6  }
0x16f: {  	v19 =	vcvt.f32.s32 v7;
	v7 =	vcvt.f32.s32 v9;
	v9 =	vld [tilespmem:s31+$0x0]  }
0x170: {  	v20 =	vsub.f32 v20, v3;
	v8 =	vcvt.f32.s32 v8;
	v6 =	vcvt.f32.s32 v10  }
0x171: {  	v17 =	vld [tilespmem:s31+$0xFFFFFFF0];
	v10 =	vsub.f32 v14, v3;
	v13 =	vcvt.f32.s32 v13;
	vm0 =	vlt.s32 v5, $0x3F  }
0x172: {  	vm1 =	vlt.s32 v12, $0x3F;
	v16 =	vnsel vm0, $0x3F, v5;
	v5 =	vcvt.f32.s32 v11;
	v11 =	vld [tilespmem:s31+$0x10]  }
0x173: {  	v14 =	vld [tilespmem:s31+$0x20];
	vm4 =	vlt.s32 v18, $0x3F;
	vm5 =	vlt.s32 v19, $0x3F;
	vm3 =	vlt.s32 v8, $0x3F  }
0x174: {  	vm2 =	vlt.s32 v7, $0x3F;
	v10 =	vmul.f32 v10, v4;
	v9 =	vsub.f32 v9, v3  }
0x175: {  	vm0 =	vlt.s32 v6, $0x3F;
	v62 =	vnsel vm1, $0x3F, v12;
	vm1 =	vlt.s32 v13, $0x3F  }
0x176: {  	v12 =	vnsel vm1, $0x3F, v13;
	v13 =	vsub.f32 v17, v3;
	v15 =	vmul.f32 v9, v4  }
0x177: {  	v9 =	vnsel vm4, $0x3F, v18;
	v18 =	vmul.f32 v20, v4;
	v17 =	vsub.f32 v11, v3  }
0x178: {  	v14 =	vsub.f32 v14, v3;
	v11 =	vtrunc.f32 v10;
	v10 =	vmul.f32 v13, v4  }
0x179: {  	vm1 =	vlt.s32 v5, $0x3F;
	[tilespmem:v16+s11+$0x0] =	vst.idx.add.s32.msk $0xffff, v1;
	v13 =	vtrunc.f32 v63;
	v17 =	vmul.f32 v17, v4  }
0x17a: {  	s19 =	simm.s32 $0x8;
	s20 =	sadd.s32 $0x400, s31;
	v16 =	vmul.f32 v14, v4;
	[tilespmem:v62+s11+$0x0] =	vst.idx.add.s32.msk $0xffff, v1;
	v14 =	vtrunc.f32 v10;
	v10 =	vnsel vm5, $0x3F, v19  }
.LBB2_17:
0x17b: {  	v19 =	vld [tilespmem:s20+$0x30];
	s19 =	sadd.s32 $0x8, s19;
	v15 =	vtrunc.f32 v15;
	v17 =	vtrunc.f32 v17;
	v20 =	vnsel vm3, $0x3F, v8  }
0x17c: {  	v16 =	vtrunc.f32 v16;
	v21 =	vld [tilespmem:s20+$0xFFFFFFD0];
	p0 =	slt.u32 s19, $0x38;
	v8 =	vtrunc.f32 v18;
	v18 =	vnsel vm2, $0x3F, v7  }
0x17d: {  	v23 =	vcvt.f32.s32 v11;
	v24 =	vnsel vm0, $0x3F, v6;
	v22 =	vcvt.f32.s32 v8;
	[tilespmem:v12+s11+$0x0] =	vst.idx.add.s32.msk $0xffff, v1  }
0x17e: {  	v25 =	vcvt.f32.s32 v13;
	v26 =	vnsel vm1, $0x3F, v5;
	v8 =	vcvt.f32.s32 v14;
	v11 =	vld [tilespmem:s20+$0xFFFFFFE0]  }
0x17f: {  	v7 =	vcvt.f32.s32 v15;
	v6 =	vcvt.f32.s32 v17;
	v12 =	vld [tilespmem:s20+$0xFFFFFFF0];
	vm6 =	vlt.s32 v22, $0x3F  }
0x180: {  	v5 =	vcvt.f32.s32 v16;
	vm4 =	vlt.s32 v23, $0x3F;
	v13 =	vld [tilespmem:s20+$0x0];
	v14 =	vsub.f32 v19, v3  }
0x181: {  	vm5 =	vlt.s32 v25, $0x3F;
	vm3 =	vlt.s32 v8, $0x3F;
	v15 =	vsub.f32 v21, v3;
	v16 =	vld [tilespmem:s20+$0x10]  }
0x182: {  	vm2 =	vlt.s32 v7, $0x3F;
	vm0 =	vlt.s32 v6, $0x3F;
	v17 =	vld [tilespmem:s20+$0x20];
	v14 =	vmul.f32 v14, v4  }
0x183: {  	vm1 =	vlt.s32 v5, $0x3F;
	v19 =	vld [tilespmem:s20+$0xFFFFFFC0];
	v15 =	vmul.f32 v15, v4;
	v11 =	vsub.f32 v11, v3  }
0x184: {  	v21 =	vnsel vm6, $0x3F, v22;
	v12 =	vsub.f32 v12, v3;
	v14 =	vtrunc.f32 v14;
	[tilespmem:v9+s11+$0x0] =	vst.idx.add.s32.msk $0xffff, v1  }
0x185: {  	v9 =	vmul.f32 v11, v4;
	v13 =	vsub.f32 v13, v3;
	v14 =	vcvt.f32.s32 v14;
	[tilespmem:v10+s11+$0x0] =	vst.idx.add.s32.msk $0xffff, v1  }
.Ltmp7:
0x186: {  	v11 =	vtrunc.f32 v15;
	v10 =	vmul.f32 v12, v4;
	v12 =	vsub.f32 v16, v3;
	[tilespmem:v20+s11+$0x0] =	vst.idx.add.s32.msk $0xffff, v1;
	(pc) =	sbr.rel @p0 .LBB2_17-.Ltmp7, $4  }
0x187: {  	v15 =	vmul.f32 v13, v4;
	v16 =	vsub.f32 v17, v3;
	vm6 =	vlt.s32 v14, $0x3F;
	[tilespmem:v18+s11+$0x0] =	vst.idx.add.s32.msk $0xffff, v1  }
0x188: {  	v18 =	vsub.f32 v19, v3;
	v17 =	vmul.f32 v12, v4;
	v12 =	vnsel vm6, $0x3F, v14;
	[tilespmem:v24+s11+$0x0] =	vst.idx.add.s32.msk $0xffff, v1  }
0x189: {  	v13 =	vtrunc.f32 v9;
	v9 =	vnsel vm4, $0x3F, v23;
	v16 =	vmul.f32 v16, v4;
	[tilespmem:v21+s11+$0x0] =	vst.idx.add.s32.msk $0xffff, v1  }
0x18a: {  	s20 =	sadd.s32 $0x400, s20;
	v14 =	vtrunc.f32 v10;
	v10 =	vnsel vm5, $0x3F, v25;
	v18 =	vmul.f32 v18, v4;
	[tilespmem:v26+s11+$0x0] =	vst.idx.add.s32.msk $0xffff, v1  }
0x18b: {  	_ =	sdelay $0x1  }
0x18c: {  	v4 =	vnsel vm3, $0x3F, v8;
	v50 =	vtrunc.f32 v15;
	v51 =	vtrunc.f32 v17  }
0x18d: {  	v7 =	vnsel vm2, $0x3F, v7;
	v11 =	vcvt.f32.s32 v11;
	v3 =	vtrunc.f32 v18  }
0x18e: {  	[tilespmem:v12+s11+$0x0] =	vst.idx.add.s32.msk $0xffff, v1;
	v6 =	vnsel vm0, $0x3F, v6;
	v52 =	vtrunc.f32 v16;
	v3 =	vcvt.f32.s32 v3  }
0x18f: {  	v13 =	vcvt.f32.s32 v13;
	[tilespmem:v9+s11+$0x0] =	vst.idx.add.s32.msk $0xffff, v1;
	v5 =	vnsel vm1, $0x3F, v5;
	vm10 =	vlt.s32 v11, $0x3F  }
0x190: {  	v53 =	vcvt.f32.s32 v14;
	[tilespmem:v10+s11+$0x0] =	vst.idx.add.s32.msk $0xffff, v1;
	v54 =	vnsel vm10, $0x3F, v11;
	vm9 =	vlt.s32 v3, $0x3F  }
0x191: {  	v55 =	vcvt.f32.s32 v51;
	vm11 =	vlt.s32 v13, $0x3F;
	v3 =	vnsel vm9, $0x3F, v3;
	[tilespmem:v4+s11+$0x0] =	vst.idx.add.s32.msk $0xffff, v1  }
0x192: {  	v57 =	vcvt.f32.s32 v52;
	vm12 =	vlt.s32 v53, $0x3F;
	v56 =	vnsel vm11, $0x3F, v13;
	[tilespmem:v7+s11+$0x0] =	vst.idx.add.s32.msk $0xffff, v1  }
0x193: {  	v8 =	vcvt.f32.s32 v50;
	v58 =	vnsel vm12, $0x3F, v53;
	vm14 =	vlt.s32 v55, $0x3F;
	[tilespmem:v6+s11+$0x0] =	vst.idx.add.s32.msk $0xffff, v1  }
0x194: {  	vm15 =	vlt.s32 v57, $0x3F;
	v59 =	vnsel vm14, $0x3F, v55;
	[tilespmem:v5+s11+$0x0] =	vst.idx.add.s32.msk $0xffff, v1  }
0x195: {  	vm13 =	vlt.s32 v8, $0x3F;
	v60 =	vnsel vm15, $0x3F, v57;
	[tilespmem:v54+s11+$0x0] =	vst.idx.add.s32.msk $0xffff, v1  }
0x196: {  	[tilespmem:v3+s11+$0x0] =	vst.idx.add.s32.msk $0xffff, v1;
	v3 =	vnsel vm13, $0x3F, v8  }
0x197: {  	[tilespmem:v56+s11+$0x0] =	vst.idx.add.s32.msk $0xffff, v1  }
0x198: {  	[tilespmem:v58+s11+$0x0] =	vst.idx.add.s32.msk $0xffff, v1  }
0x199: {  	[tilespmem:v59+s11+$0x0] =	vst.idx.add.s32.msk $0xffff, v1  }
0x19a: {  	[tilespmem:v60+s11+$0x0] =	vst.idx.add.s32.msk $0xffff, v1  }
0x19b: {  	[tilespmem:v3+s11+$0x0] =	vst.idx.add.s32.msk $0xffff, v1  }
0x19c: {  	v3 =	vld [tilespmem:$0x10000];
	_ =	sdelay $0x1  }
0x19d: {  	v4 =	vld [tilespmem:$0x10010];
	_ =	sdelay $0x1  }
0x19e: {  	v5 =	vld [tilespmem:$0x10020]  }
0x19f: {  	v6 =	vld [tilespmem:$0x10030];
	v3 =	vcvt.s32.f32 v3;
	_ =	sdelay $0x1  }
0x1a0: {  	v4 =	vcvt.s32.f32 v4;
	v3 =	vadd.f32 $-6.400000000e+01, v3;
	_ =	sdelay $0x1  }
0x1a1: {  	v5 =	vcvt.s32.f32 v5;
	v4 =	vadd.f32 $-6.400000000e+01, v4;
	v3 =	vmul.f32 v3, v3  }
0x1a2: {  	v62 =	vcvt.s32.f32 v6  }
0x1a3: {  	s18 =	sadd.s32 $0x1, s18;
	v61 =	vadd.f32 $-6.400000000e+01, v5;
	v2 =	vadd.f32 v3, v2;
	v3 =	vmul.f32 v4, v4  }
0x1a4: {  	p0 =	sne.s32 s18, $0x20  }
.Ltmp8:
0x1a5: {  	v63 =	vadd.f32 $-6.400000000e+01, v62;
	v2 =	vadd.f32 v3, v2;
	v3 =	vmul.f32 v61, v61;
	(pc) =	sbr.rel @p0 .LBB2_14-.Ltmp8, $4  }
0x1a6: {  	[tilespmem:$0x10000] =	vst v0  }
0x1a7: {  	[tilespmem:$0x10010] =	vst v0;
	v2 =	vadd.f32 v3, v2;
	v3 =	vmul.f32 v63, v63  }
0x1a8: {  	[tilespmem:$0x10020] =	vst v0  }
0x1a9: {  	s17 =	sadd.s32 $0x400, s17;
	s16 =	sadd.s32 $0x1, s16;
	[tilespmem:$0x10030] =	vst v0;
	v2 =	vadd.f32 v3, v2  }
0x1aa: {  	_ =	swait.ge [sflag:s12], $0x8000  }
0x1ab: {  	s16 =	simm.s32 $0x0;
	[sflag:s12] =	ssyncset.done $0x0  }
0x1ac: {  	s17 =	simm.s32 $0x0;
	s18 =	simm.s32 $0x0;
	[sflag:s12] =	ssyncadd.s32 $0xFFFF8000  }
.LBB2_20:
0x1ad: {  	s19 =	sshll.u32 s17, $0x2;
	s20 =	sand.u32 $0x7, s16  }
0x1ae: {  	s19 =	sand.u32 $0xFFFF8000, s19;
	s20 =	sshll.u32 s20, $0x9  }
0x1af: {  	s19 =	sor.u32 s20, s19  }
0x1b0: {  	s19 =	sshrl.u32 s19, $0x2  }
0x1b1: {  	s19 =	sadd.s32 $0x8040, s19  }
0x1b2: {  	v4 =	vmov s19;
	_ =	sdelay $0x3  }
0x1b3: {  	s22 =	simm.s32 $0x0  }
0x1b4: {  	v3 =	vld.idx.msk [tilespmem:v4+s22+$0x30 ss:$0x1], $0xffff  }
0x1b5: {  	v7 =	vld.idx.msk [tilespmem:v4+s22+$0xFFFFFFC0 ss:$0x1], $0xffff  }
0x1b6: {  	v8 =	vimm.f32 $+Inf;
	v15 =	vld.idx.msk [tilespmem:v4+s22+$0xFFFFFFD0 ss:$0x1], $0xffff  }
0x1b7: {  	v9 =	vimm.f32 $-Inf;
	v12 =	vimm.f32 $+Inf;
	v16 =	vimm.f32 $-Inf;
	v10 =	vld.idx.msk [tilespmem:v4+s22+$0xFFFFFFE0 ss:$0x1], $0xffff  }
0x1b8: {  	v17 =	vimm.f32 $+Inf;
	v13 =	vimm.f32 $-Inf;
	v18 =	vimm.f32 $+Inf;
	v11 =	vld.idx.msk [tilespmem:v4+s22+$0xFFFFFFF0 ss:$0x1], $0xffff  }
0x1b9: {  	v20 =	vimm.f32 $-Inf;
	v14 =	vimm.f32 $+Inf;
	v22 =	vimm.f32 $-Inf;
	v19 =	vld.idx.msk [tilespmem:v4+s22+$0x0 ss:$0x1], $0xffff  }
0x1ba: {  	v23 =	vimm.f32 $+Inf;
	v24 =	vimm.f32 $-Inf;
	v21 =	vld.idx.msk [tilespmem:v4+s22+$0x10 ss:$0x1], $0xffff;
	v5 =	vmin.f32 v8, v3  }
0x1bb: {  	s21 =	simm.s32 $0x2000;
	s20 =	simm.s32 $0x400;
	v25 =	vld.idx.msk [tilespmem:v4+s22+$0x20 ss:$0x1], $0xffff;
	v3 =	vmax.f32 v9, v3;
	v6 =	vmin.f32 v8, v7;
	v7 =	vmax.f32 v9, v7  }
.LBB2_21:
0x1bc: {  	p0 =	sne.s32 s21, $0x7000;
	v26 =	vld.idx.msk [tilespmem:v4+s20+$0x30 ss:$0x1], $0xffff;
	v8 =	vmin.f32 v8, v15;
	v9 =	vmax.f32 v9, v15  }
0x1bd: {  	v12 =	vmin.f32 v12, v10;
	v16 =	vmax.f32 v16, v10;
	v27 =	vld.idx.msk [tilespmem:v4+s20+$0xFFFFFFC0 ss:$0x1], $0xffff  }
0x1be: {  	v17 =	vmin.f32 v17, v11;
	v13 =	vmax.f32 v13, v11;
	v15 =	vld.idx.msk [tilespmem:v4+s20+$0xFFFFFFD0 ss:$0x1], $0xffff  }
.Ltmp9:
0x1bf: {  	v18 =	vmin.f32 v18, v19;
	v20 =	vmax.f32 v20, v19;
	v10 =	vld.idx.msk [tilespmem:v4+s20+$0xFFFFFFE0 ss:$0x1], $0xffff;
	(pc) =	sbr.rel @p0 .LBB2_21-.Ltmp9, $4  }
0x1c0: {  	v14 =	vmin.f32 v14, v21;
	v22 =	vmax.f32 v22, v21;
	v11 =	vld.idx.msk [tilespmem:v4+s20+$0xFFFFFFF0 ss:$0x1], $0xffff  }
0x1c1: {  	v23 =	vmin.f32 v23, v25;
	v24 =	vmax.f32 v24, v25;
	v19 =	vld.idx.msk [tilespmem:v4+s20+$0x0 ss:$0x1], $0xffff  }
0x1c2: {  	v5 =	vmin.f32 v5, v26;
	v3 =	vmax.f32 v3, v26;
	v21 =	vld.idx.msk [tilespmem:v4+s20+$0x10 ss:$0x1], $0xffff  }
0x1c3: {  	v6 =	vmin.f32 v6, v27;
	v7 =	vmax.f32 v7, v27;
	v25 =	vld.idx.msk [tilespmem:v4+s20+$0x20 ss:$0x1], $0xffff;
	s20 =	sshra.s32 s21, $0x2;
	s21 =	sadd.s32 $0x1000, s21  }
0x1c4: {  	_ =	sdelay $0x3  }
0x1c5: {  	v26 =	vld.idx.msk [tilespmem:v4+s20+$0x30 ss:$0x1], $0xffff  }
0x1c6: {  	v27 =	vld.idx.msk [tilespmem:v4+s20+$0xFFFFFFC0 ss:$0x1], $0xffff  }
0x1c7: {  	v28 =	vld.idx.msk [tilespmem:v4+s20+$0xFFFFFFD0 ss:$0x1], $0xffff  }
0x1c8: {  	v8 =	vmin.f32 v8, v15;
	v9 =	vmax.f32 v9, v15;
	v15 =	vld.idx.msk [tilespmem:v4+s20+$0xFFFFFFE0 ss:$0x1], $0xffff  }
0x1c9: {  	v12 =	vmin.f32 v12, v10;
	v10 =	vmax.f32 v16, v10;
	v16 =	vmin.f32 v17, v11;
	v17 =	vld.idx.msk [tilespmem:v4+s20+$0xFFFFFFF0 ss:$0x1], $0xffff  }
0x1ca: {  	v61 =	vld.idx.msk [tilespmem:v4+s20+$0x10 ss:$0x1], $0xffff;
	v11 =	vmax.f32 v13, v11;
	v13 =	vmin.f32 v18, v19;
	v18 =	vmax.f32 v20, v19  }
0x1cb: {  	v19 =	vld.idx.msk [tilespmem:v4+s20+$0x0 ss:$0x1], $0xffff;
	v14 =	vmin.f32 v14, v21;
	v20 =	vmax.f32 v22, v21;
	v59 =	vmin.f32 v23, v25  }
0x1cc: {  	v60 =	vmax.f32 v24, v25;
	v5 =	vmin.f32 v5, v26;
	v6 =	vmin.f32 v6, v27  }
0x1cd: {  	v7 =	vmax.f32 v7, v27;
	v8 =	vmin.f32 v8, v28;
	v9 =	vmax.f32 v9, v28  }
0x1ce: {  	v4 =	vld.idx.msk [tilespmem:v4+s20+$0x20 ss:$0x1], $0xffff;
	v12 =	vmin.f32 v12, v15;
	v10 =	vmax.f32 v10, v15;
	v15 =	vmin.f32 v16, v17  }
0x1cf: {  	v11 =	vmax.f32 v11, v17;
	v6 =	vmin.f32 v6, v8;
	v7 =	vmax.f32 v7, v9  }
0x1d0: {  	v9 =	vmin.f32 v14, v61;
	v13 =	vmin.f32 v13, v19;
	v6 =	vmin.f32 v6, v12  }
0x1d1: {  	v8 =	vmax.f32 v18, v19;
	v7 =	vmax.f32 v7, v10;
	v6 =	vmin.f32 v6, v15  }
0x1d2: {  	v10 =	vmax.f32 v20, v61;
	v7 =	vmax.f32 v7, v11;
	v6 =	vmin.f32 v6, v13  }
0x1d3: {  	v11 =	vmin.f32 v59, v4;
	v7 =	vmax.f32 v7, v8;
	v6 =	vmin.f32 v6, v9  }
0x1d4: {  	v4 =	vmax.f32 v60, v4;
	v7 =	vmax.f32 v7, v10;
	v6 =	vmin.f32 v6, v11  }
0x1d5: {  	v3 =	vmax.f32 v3, v26;
	v4 =	vmax.f32 v7, v4;
	v5 =	vmin.f32 v6, v5  }
0x1d6: {  	v3 =	vmax.f32 v4, v3;
	(xrf0) =	vmin.scan.msk.f32 $0xffff, v5  }
0x1d7: {  	(xrf0) =	vmax.scan.msk.f32 $0xffff, v3;
	_ =	sdelay $0x4  }
0x1d8: {  	v3, _, _ =	vpop (xrf0)  }
0x1d9: {  	(v2sf) =	vpush v3, $0xF;
	v4, _, _ =	vpop (xrf0)  }
0x1da: {  	(v2sf) =	vpush v4, $0xF;
	_ =	sdelay $0xd  }
0x1db: {  	s30 =	spop (v2sf)  }
0x1dc: {  	s21 =	spop (v2sf)  }
0x1dd: {  	s20 =	ssub.f32 s21, s30;
	_ =	sdelay $0x1  }
0x1de: {  	s20 =	smul.f32 $1.562500000e-02, s20;
	_ =	sdelay $0x1  }
0x1df: {  	v8 =	vld [tilespmem:s19+$0xFFFFFFF0];
	v4 =	vmov s20  }
0x1e0: {  	v9 =	vld [tilespmem:s19+$0x0];
	(erf) = vrcp.f32 v4  }
0x1e1: {  	v7 =	vld [tilespmem:s19+$0xFFFFFFE0]  }
0x1e2: {  	v5 =	vld [tilespmem:s19+$0x30]  }
0x1e3: {  	v6 =	vld [tilespmem:s19+$0xFFFFFFD0]  }
0x1e4: {  	v10 =	vld [tilespmem:s19+$0x10]  }
0x1e5: {  	v11 =	vld [tilespmem:s19+$0x20];
	v3 =	vbroadcast v3, $0xF  }
0x1e6: {  	s31 =	sadd.s32 $0x400, s19;
	v12 =	vld [tilespmem:s19+$0xFFFFFFC0]  }
0x1e7: {  	v13 =	vld [tilespmem:s31+$0x30];
	v5 =	vsub.f32 v5, v3  }
0x1e8: {  	v15 =	vld [tilespmem:s31+$0xFFFFFFE0];
	v6 =	vsub.f32 v6, v3;
	v7 =	vsub.f32 v7, v3  }
0x1e9: {  	v8 =	vsub.f32 v8, v3;
	v9 =	vsub.f32 v9, v3;
	vm0 =	vgt.f32 v4, $0.0e+00;
	v4 =	vpop (erf)  }
0x1ea: {  	v10 =	vsub.f32 v10, v3;
	v11 =	vsub.f32 v11, v3;
	v4 =	vnsel vm0, $0x0, v4  }
0x1eb: {  	v12 =	vsub.f32 v12, v3;
	v5 =	vmul.f32 v5, v4;
	v6 =	vmul.f32 v6, v4  }
0x1ec: {  	v13 =	vsub.f32 v13, v3;
	v7 =	vmul.f32 v7, v4;
	v8 =	vmul.f32 v8, v4  }
0x1ed: {  	v15 =	vsub.f32 v15, v3;
	v9 =	vmul.f32 v9, v4;
	v10 =	vmul.f32 v10, v4  }
0x1ee: {  	v11 =	vmul.f32 v11, v4;
	v12 =	vmul.f32 v12, v4  }
0x1ef: {  	v13 =	vmul.f32 v13, v4;
	v63 =	vmul.f32 v15, v4  }
0x1f0: {  	v5 =	vtrunc.f32 v5;
	v6 =	vtrunc.f32 v6  }
0x1f1: {  	v7 =	vtrunc.f32 v7;
	v8 =	vtrunc.f32 v8  }
0x1f2: {  	v20 =	vld [tilespmem:s31+$0xFFFFFFC0];
	v9 =	vtrunc.f32 v9;
	v10 =	vtrunc.f32 v10  }
0x1f3: {  	v14 =	vld [tilespmem:s31+$0xFFFFFFD0];
	v12 =	vtrunc.f32 v12;
	v11 =	vtrunc.f32 v11  }
0x1f4: {  	v13 =	vtrunc.f32 v13;
	v5 =	vcvt.f32.s32 v5  }
0x1f5: {  	v12 =	vcvt.f32.s32 v12;
	v18 =	vcvt.f32.s32 v6  }
0x1f6: {  	v19 =	vcvt.f32.s32 v7;
	v7 =	vcvt.f32.s32 v9;
	v9 =	vld [tilespmem:s31+$0x0]  }
0x1f7: {  	v20 =	vsub.f32 v20, v3;
	v8 =	vcvt.f32.s32 v8;
	v6 =	vcvt.f32.s32 v10  }
0x1f8: {  	v17 =	vld [tilespmem:s31+$0xFFFFFFF0];
	v10 =	vsub.f32 v14, v3;
	v13 =	vcvt.f32.s32 v13;
	vm0 =	vlt.s32 v5, $0x3F  }
0x1f9: {  	vm1 =	vlt.s32 v12, $0x3F;
	v16 =	vnsel vm0, $0x3F, v5;
	v5 =	vcvt.f32.s32 v11;
	v11 =	vld [tilespmem:s31+$0x10]  }
0x1fa: {  	v14 =	vld [tilespmem:s31+$0x20];
	vm4 =	vlt.s32 v18, $0x3F;
	vm5 =	vlt.s32 v19, $0x3F;
	vm3 =	vlt.s32 v8, $0x3F  }
0x1fb: {  	vm2 =	vlt.s32 v7, $0x3F;
	v10 =	vmul.f32 v10, v4;
	v9 =	vsub.f32 v9, v3  }
0x1fc: {  	vm0 =	vlt.s32 v6, $0x3F;
	v62 =	vnsel vm1, $0x3F, v12;
	vm1 =	vlt.s32 v13, $0x3F  }
0x1fd: {  	v12 =	vnsel vm1, $0x3F, v13;
	v13 =	vsub.f32 v17, v3;
	v15 =	vmul.f32 v9, v4  }
0x1fe: {  	v9 =	vnsel vm4, $0x3F, v18;
	v18 =	vmul.f32 v20, v4;
	v17 =	vsub.f32 v11, v3  }
0x1ff: {  	v14 =	vsub.f32 v14, v3;
	v11 =	vtrunc.f32 v10;
	v10 =	vmul.f32 v13, v4  }
0x200: {  	vm1 =	vlt.s32 v5, $0x3F;
	[tilespmem:v16+s11+$0x0] =	vst.idx.add.s32.msk $0xffff, v1;
	v13 =	vtrunc.f32 v63;
	v17 =	vmul.f32 v17, v4  }
0x201: {  	s19 =	simm.s32 $0x8;
	s20 =	sadd.s32 $0x400, s31;
	v16 =	vmul.f32 v14, v4;
	[tilespmem:v62+s11+$0x0] =	vst.idx.add.s32.msk $0xffff, v1;
	v14 =	vtrunc.f32 v10;
	v10 =	vnsel vm5, $0x3F, v19  }
.LBB2_23:
0x202: {  	v19 =	vld [tilespmem:s20+$0x30];
	s19 =	sadd.s32 $0x8, s19;
	v15 =	vtrunc.f32 v15;
	v17 =	vtrunc.f32 v17;
	v20 =	vnsel vm3, $0x3F, v8  }
0x203: {  	v16 =	vtrunc.f32 v16;
	v21 =	vld [tilespmem:s20+$0xFFFFFFD0];
	p0 =	slt.u32 s19, $0x38;
	v8 =	vtrunc.f32 v18;
	v18 =	vnsel vm2, $0x3F, v7  }
0x204: {  	v23 =	vcvt.f32.s32 v11;
	v24 =	vnsel vm0, $0x3F, v6;
	v22 =	vcvt.f32.s32 v8;
	[tilespmem:v12+s11+$0x0] =	vst.idx.add.s32.msk $0xffff, v1  }
0x205: {  	v25 =	vcvt.f32.s32 v13;
	v26 =	vnsel vm1, $0x3F, v5;
	v8 =	vcvt.f32.s32 v14;
	v11 =	vld [tilespmem:s20+$0xFFFFFFE0]  }
0x206: {  	v7 =	vcvt.f32.s32 v15;
	v6 =	vcvt.f32.s32 v17;
	v12 =	vld [tilespmem:s20+$0xFFFFFFF0];
	vm6 =	vlt.s32 v22, $0x3F  }
0x207: {  	v5 =	vcvt.f32.s32 v16;
	vm4 =	vlt.s32 v23, $0x3F;
	v13 =	vld [tilespmem:s20+$0x0];
	v14 =	vsub.f32 v19, v3  }
0x208: {  	vm5 =	vlt.s32 v25, $0x3F;
	vm3 =	vlt.s32 v8, $0x3F;
	v15 =	vsub.f32 v21, v3;
	v16 =	vld [tilespmem:s20+$0x10]  }
0x209: {  	vm2 =	vlt.s32 v7, $0x3F;
	vm0 =	vlt.s32 v6, $0x3F;
	v17 =	vld [tilespmem:s20+$0x20];
	v14 =	vmul.f32 v14, v4  }
0x20a: {  	vm1 =	vlt.s32 v5, $0x3F;
	v19 =	vld [tilespmem:s20+$0xFFFFFFC0];
	v15 =	vmul.f32 v15, v4;
	v11 =	vsub.f32 v11, v3  }
0x20b: {  	v21 =	vnsel vm6, $0x3F, v22;
	v12 =	vsub.f32 v12, v3;
	v14 =	vtrunc.f32 v14;
	[tilespmem:v9+s11+$0x0] =	vst.idx.add.s32.msk $0xffff, v1  }
0x20c: {  	v9 =	vmul.f32 v11, v4;
	v13 =	vsub.f32 v13, v3;
	v14 =	vcvt.f32.s32 v14;
	[tilespmem:v10+s11+$0x0] =	vst.idx.add.s32.msk $0xffff, v1  }
.Ltmp10:
0x20d: {  	v11 =	vtrunc.f32 v15;
	v10 =	vmul.f32 v12, v4;
	v12 =	vsub.f32 v16, v3;
	[tilespmem:v20+s11+$0x0] =	vst.idx.add.s32.msk $0xffff, v1;
	(pc) =	sbr.rel @p0 .LBB2_23-.Ltmp10, $4  }
0x20e: {  	v15 =	vmul.f32 v13, v4;
	v16 =	vsub.f32 v17, v3;
	vm6 =	vlt.s32 v14, $0x3F;
	[tilespmem:v18+s11+$0x0] =	vst.idx.add.s32.msk $0xffff, v1  }
0x20f: {  	v18 =	vsub.f32 v19, v3;
	v17 =	vmul.f32 v12, v4;
	v12 =	vnsel vm6, $0x3F, v14;
	[tilespmem:v24+s11+$0x0] =	vst.idx.add.s32.msk $0xffff, v1  }
0x210: {  	v13 =	vtrunc.f32 v9;
	v9 =	vnsel vm4, $0x3F, v23;
	v16 =	vmul.f32 v16, v4;
	[tilespmem:v21+s11+$0x0] =	vst.idx.add.s32.msk $0xffff, v1  }
0x211: {  	s20 =	sadd.s32 $0x400, s20;
	v14 =	vtrunc.f32 v10;
	v10 =	vnsel vm5, $0x3F, v25;
	v18 =	vmul.f32 v18, v4;
	[tilespmem:v26+s11+$0x0] =	vst.idx.add.s32.msk $0xffff, v1  }
0x212: {  	_ =	sdelay $0x1  }
0x213: {  	v4 =	vnsel vm3, $0x3F, v8;
	v50 =	vtrunc.f32 v15;
	v51 =	vtrunc.f32 v17  }
0x214: {  	v7 =	vnsel vm2, $0x3F, v7;
	v11 =	vcvt.f32.s32 v11;
	v3 =	vtrunc.f32 v18  }
0x215: {  	[tilespmem:v12+s11+$0x0] =	vst.idx.add.s32.msk $0xffff, v1;
	v6 =	vnsel vm0, $0x3F, v6;
	v52 =	vtrunc.f32 v16;
	v3 =	vcvt.f32.s32 v3  }
0x216: {  	v13 =	vcvt.f32.s32 v13;
	[tilespmem:v9+s11+$0x0] =	vst.idx.add.s32.msk $0xffff, v1;
	v5 =	vnsel vm1, $0x3F, v5;
	vm10 =	vlt.s32 v11, $0x3F  }
0x217: {  	v53 =	vcvt.f32.s32 v14;
	[tilespmem:v10+s11+$0x0] =	vst.idx.add.s32.msk $0xffff, v1;
	v54 =	vnsel vm10, $0x3F, v11;
	vm9 =	vlt.s32 v3, $0x3F  }
0x218: {  	v55 =	vcvt.f32.s32 v51;
	vm11 =	vlt.s32 v13, $0x3F;
	v3 =	vnsel vm9, $0x3F, v3;
	[tilespmem:v4+s11+$0x0] =	vst.idx.add.s32.msk $0xffff, v1  }
0x219: {  	v57 =	vcvt.f32.s32 v52;
	vm12 =	vlt.s32 v53, $0x3F;
	v56 =	vnsel vm11, $0x3F, v13;
	[tilespmem:v7+s11+$0x0] =	vst.idx.add.s32.msk $0xffff, v1  }
0x21a: {  	v8 =	vcvt.f32.s32 v50;
	v58 =	vnsel vm12, $0x3F, v53;
	vm14 =	vlt.s32 v55, $0x3F;
	[tilespmem:v6+s11+$0x0] =	vst.idx.add.s32.msk $0xffff, v1  }
0x21b: {  	vm15 =	vlt.s32 v57, $0x3F;
	v59 =	vnsel vm14, $0x3F, v55;
	[tilespmem:v5+s11+$0x0] =	vst.idx.add.s32.msk $0xffff, v1  }
0x21c: {  	vm13 =	vlt.s32 v8, $0x3F;
	v60 =	vnsel vm15, $0x3F, v57;
	[tilespmem:v54+s11+$0x0] =	vst.idx.add.s32.msk $0xffff, v1  }
0x21d: {  	[tilespmem:v3+s11+$0x0] =	vst.idx.add.s32.msk $0xffff, v1;
	v3 =	vnsel vm13, $0x3F, v8  }
0x21e: {  	[tilespmem:v56+s11+$0x0] =	vst.idx.add.s32.msk $0xffff, v1  }
0x21f: {  	[tilespmem:v58+s11+$0x0] =	vst.idx.add.s32.msk $0xffff, v1  }
0x220: {  	[tilespmem:v59+s11+$0x0] =	vst.idx.add.s32.msk $0xffff, v1  }
0x221: {  	[tilespmem:v60+s11+$0x0] =	vst.idx.add.s32.msk $0xffff, v1  }
0x222: {  	[tilespmem:v3+s11+$0x0] =	vst.idx.add.s32.msk $0xffff, v1  }
0x223: {  	v3 =	vld [tilespmem:$0x10000];
	_ =	sdelay $0x1  }
0x224: {  	v4 =	vld [tilespmem:$0x10010];
	_ =	sdelay $0x1  }
0x225: {  	v5 =	vld [tilespmem:$0x10020]  }
0x226: {  	v6 =	vld [tilespmem:$0x10030];
	v3 =	vcvt.s32.f32 v3;
	_ =	sdelay $0x1  }
0x227: {  	v4 =	vcvt.s32.f32 v4;
	v3 =	vadd.f32 $-6.400000000e+01, v3;
	_ =	sdelay $0x1  }
0x228: {  	v5 =	vcvt.s32.f32 v5;
	v4 =	vadd.f32 $-6.400000000e+01, v4;
	v3 =	vmul.f32 v3, v3  }
0x229: {  	v62 =	vcvt.s32.f32 v6  }
0x22a: {  	s18 =	sadd.s32 $0x1, s18;
	v61 =	vadd.f32 $-6.400000000e+01, v5;
	v2 =	vadd.f32 v3, v2;
	v3 =	vmul.f32 v4, v4  }
0x22b: {  	p0 =	sne.s32 s18, $0x20  }
.Ltmp11:
0x22c: {  	v63 =	vadd.f32 $-6.400000000e+01, v62;
	v2 =	vadd.f32 v3, v2;
	v3 =	vmul.f32 v61, v61;
	(pc) =	sbr.rel @p0 .LBB2_20-.Ltmp11, $4  }
0x22d: {  	[tilespmem:$0x10000] =	vst v0  }
0x22e: {  	[tilespmem:$0x10010] =	vst v0;
	v2 =	vadd.f32 v3, v2;
	v3 =	vmul.f32 v63, v63  }
0x22f: {  	[tilespmem:$0x10020] =	vst v0  }
0x230: {  	s17 =	sadd.s32 $0x400, s17;
	s16 =	sadd.s32 $0x1, s16;
	[tilespmem:$0x10030] =	vst v0;
	v2 =	vadd.f32 v3, v2  }
0x231: {  	s15 =	sadd.s32 $0x1, s15  }
0x232: {  	p0 =	sne.s32 s15, s8  }
.Ltmp12:
0x233: {  	[tilespmem:$0x10080] =	vst v2;
	(pc) =	sbr.rel @p0 .LBB2_1-.Ltmp12, $4  }
0x234: {  	[hbm4b:s7+s2] =	stream.linear.scatter [tilespmem:s13], [sflag:$0x3], $0x80, $0x38;
	[tilespmem:$0x10100] =	vst v63  }
0x235: {  	_ =	swait.ge [sflag:s14], $0x80  }
0x236: {  	[sflag:s14] =	ssyncset.done $0x0  }
0x237: {  	[sflag:s14] =	ssyncadd.s32 $0xFFFFFF80  }
0x238: {  	_ =	sfence.sel $0x180000  }
0x239: {  	[bflag:$0x0] =	sbarrier.arrive $0xFFFF  }
0x23a: {  	p0 =	sne.s32 s0, $0x0;
	_ =	strace $0x90000047  }
0x23b: {  	s0 =	sadd.s32 @!p0 $0x100000, s1;
	[bflag:$0x2] =	sbarrier.arrive $0xFFFF  }
0x23c: {  	[sflag:s0] =	ssyncadd.tile.s32 @!p0 $0x1;
	_ =	shalt  }
.Lfunc_end2:
_tile_overlayer_lowered:
.L_overlay_start_2:
0x23d: {  	(tag) =	ssettag $0x2  }
0x23e: {  	s0 =	rddreg [dreg:$0x0];
	s2 =	stileid.u32  }
0x23f: {  	s1 =	rddreg [dreg:$0x1];
	p0 =	sne.s32 s2, $0x0  }
0x240: {  	s3 =	rddreg [dreg:$0x2];
	[bflag:$0x3] =	sbarrier.arrive $0xFFFF;
	s2 =	simm.s32 @!p0 $0x1C03  }
0x241: {  	[timem:s3], [sflag:s2] =	dma.local @!p0 [hbm:s0], s1  }
0x242: {  	s0 =	simm.s32 @!p0 $0x3  }
0x243: {  	_ =	swait.ge @!p0 [sflag:s0], s1  }
0x244: {  	s1 =	ssub.s32 @!p0 $0x0, s1;
	[sflag:s0] =	ssyncset.done @!p0 $0x0  }
0x245: {  	[sflag:s0] =	ssyncadd.s32 @!p0 s1  }
0x246: {  	[bflag:$0x3] =	sbarrier.arrive $0xFFFF  }
0x247: {  	_ =	shalt  }

</sc_bundles>
